<compile_context>
chip_gen: v7x
topology: tpu7x:2x2x1
jax: 0.10.2.dev20260603
libtpu: 0.0.44.dev20260713+nightly
codegen_flags: <defaults>
</compile_context>

<pallas_src>
import functools

import jax
import jax.numpy as jnp
from jax import lax
from jax.experimental import pallas as pl
from jax.experimental.pallas import tpu as pltpu
from jax.experimental.pallas import tpu_sc as plsc

N = 10000
E = 320000
D = 128
DE = 16
H = 8
HID = 16
HEAD = D // H

NC = 2
NS = 16
NW = NC * NS
WE = E // NW
C = 80
NCHUNK = WE // C

NP = 10240
NPT = NP // NS

NEG = -1e30

_SC_PARAMS = pltpu.CompilerParams(needs_layout_passes=False)


def _sc_mesh():
    return plsc.VectorSubcoreMesh(core_axis_name="c", subcore_axis_name="s")



def _node_proj_body(x_ref, wni_ref, wnj_ref, wm1_ref, bni_ref, bnj_ref, bm_ref,
                    asrc_ref, adst_ref, mdst_ref):
    x = x_ref[...]
    asrc_ref[...] = jnp.dot(x, wni_ref[...], preferred_element_type=jnp.float32) + bni_ref[...]
    adst_ref[...] = jnp.dot(x, wnj_ref[...], preferred_element_type=jnp.float32) + bnj_ref[...]
    mdst_ref[...] = jnp.dot(x, wm1_ref[...], preferred_element_type=jnp.float32) + bm_ref[...]


def _edge_proj_body(ea_ref, we_ref, wm2_ref, be_ref, eh_ref, em_ref):
    ea = ea_ref[...]
    eh_ref[...] = jnp.dot(ea, we_ref[...], preferred_element_type=jnp.float32) + be_ref[...]
    em_ref[...] = jnp.dot(ea, wm2_ref[...], preferred_element_type=jnp.float32)


def _out_proj_body(a0_ref, a1_ref, d0_ref, d1_ref, wout_ref, bout_ref, out_ref):
    agg = a0_ref[...] + a1_ref[...]
    den = (d0_ref[...] + d1_ref[...])[:, :H] + 1e-16
    rep = jnp.repeat(jnp.eye(H, dtype=jnp.float32), HID, axis=1)
    deno = jnp.dot(den, rep, preferred_element_type=jnp.float32)
    agg = agg / deno
    out_ref[...] = (jnp.dot(agg, wout_ref[...], preferred_element_type=jnp.float32)
                    + bout_ref[...])


def _node_proj(x, Wni, Wnj, Wm1, bni, bnj, bm):
    bn = 2000
    grid = (N // bn,)
    full = pl.BlockSpec((D, D), lambda i: (0, 0))
    bias = pl.BlockSpec((1, D), lambda i: (0, 0))
    blk = pl.BlockSpec((bn, D), lambda i: (i, 0))
    return pl.pallas_call(
        _node_proj_body,
        grid=grid,
        in_specs=[blk, full, full, full, bias, bias, bias],
        out_specs=[blk, blk, blk],
        out_shape=[jax.ShapeDtypeStruct((N, D), jnp.float32)] * 3,
    )(x, Wni, Wnj, Wm1, bni.reshape(1, D), bnj.reshape(1, D), bm.reshape(1, D))


def _edge_proj(ea, We, Wm2, be):
    be_blk = 8000
    grid = (E // be_blk,)
    blk_in = pl.BlockSpec((be_blk, DE), lambda i: (i, 0))
    full = pl.BlockSpec((DE, D), lambda i: (0, 0))
    bias = pl.BlockSpec((1, D), lambda i: (0, 0))
    blk_out = pl.BlockSpec((be_blk, D), lambda i: (i, 0))
    return pl.pallas_call(
        _edge_proj_body,
        grid=grid,
        in_specs=[blk_in, full, full, bias],
        out_specs=[blk_out, blk_out],
        out_shape=[jax.ShapeDtypeStruct((E, D), jnp.float32)] * 2,
    )(ea, We, Wm2, be.reshape(1, D))


def _out_proj(agg0, agg1, den0, den1, Wout, bout):
    bn = 2000
    grid = (N // bn,)
    blk = pl.BlockSpec((bn, D), lambda i: (i, 0))
    dblk = pl.BlockSpec((bn, HID), lambda i: (i, 0))
    full = pl.BlockSpec((D, D), lambda i: (0, 0))
    bias = pl.BlockSpec((1, D), lambda i: (0, 0))
    return pl.pallas_call(
        _out_proj_body,
        grid=grid,
        in_specs=[blk, blk, dblk, dblk, full, bias],
        out_specs=blk,
        out_shape=jax.ShapeDtypeStruct((N, D), jnp.float32),
    )(agg0, agg1, den0, den1, Wout, bout.reshape(1, D))



def _p1_body(asrc, adst, eh, src, dst, ap,
             logits_hbm, wmax_hbm,
             src_v, dst_v, a_v, b_v, e_v, lo_v, mx_v, ap_v,
             sem0, sem1):
    wid = lax.axis_index("s") * NC + lax.axis_index("c")
    pltpu.sync_copy(ap, ap_v)
    mx_v[...] = jnp.full((HID,), NEG, jnp.float32)

    def chunk(i, _):
        base = wid * WE + i * C
        pltpu.sync_copy(src.at[pl.ds(base, C)], src_v)
        pltpu.sync_copy(dst.at[pl.ds(base, C)], dst_v)
        cp_a = pltpu.async_copy(asrc.at[src_v], a_v, sem0)
        cp_b = pltpu.async_copy(adst.at[dst_v], b_v, sem1)
        pltpu.sync_copy(eh.at[pl.ds(base, C)], e_v)
        cp_a.wait()
        cp_b.wait()

        def edge(e, mx):
            lvec = jnp.full((HID,), NEG, jnp.float32)
            for h in range(H):
                u = (a_v[e, pl.ds(h * HID, HID)]
                     + b_v[e, pl.ds(h * HID, HID)]
                     + e_v[e, pl.ds(h * HID, HID)])
                u = jnp.maximum(u, 0.2 * u)
                s = jnp.sum(u * ap_v[h, :])
                lvec = jnp.where(lax.iota(jnp.int32, HID) == h, s, lvec)
            lo_v[e, :] = lvec
            return jnp.maximum(mx, lvec)

        mx_v[...] = lax.fori_loop(0, C, edge, mx_v[...])
        pltpu.sync_copy(lo_v, logits_hbm.at[pl.ds(base, C)])
        return ()

    lax.fori_loop(0, NCHUNK, chunk, ())
    pltpu.sync_copy(mx_v, wmax_hbm.at[wid])


def _p1(asrc, adst, eh, src, dst, ap):
    f = pl.kernel(
        _p1_body,
        out_type=[
            jax.ShapeDtypeStruct((E, HID), jnp.float32),
            jax.ShapeDtypeStruct((NW, HID), jnp.float32),
        ],
        mesh=_sc_mesh(),
        compiler_params=_SC_PARAMS,
        scratch_types=[
            pltpu.VMEM((C,), jnp.int32),
            pltpu.VMEM((C,), jnp.int32),
            pltpu.VMEM((C, D), jnp.float32),
            pltpu.VMEM((C, D), jnp.float32),
            pltpu.VMEM((C, D), jnp.float32),
            pltpu.VMEM((C, HID), jnp.float32),
            pltpu.VMEM((HID,), jnp.float32),
            pltpu.VMEM((H, HID), jnp.float32),
            pltpu.SemaphoreType.DMA,
            pltpu.SemaphoreType.DMA,
        ],
    )
    return f(asrc, adst, eh, src, dst, ap)



def _gmax_scalar(wm_v):
    m = wm_v[0, :]
    for w in range(1, NW):
        m = jnp.maximum(m, wm_v[w, :])
    return jnp.max(m)


def _p2_body(logits, src, wmax,
             den0, den1,
             src_v, lo_v, wm_v, den_sh):
    cid = lax.axis_index("c")
    sid = lax.axis_index("s")
    wid = sid * NC + cid
    pltpu.sync_copy(wmax, wm_v)
    gm = _gmax_scalar(wm_v)

    def zrow(r, _):
        lo_v[r, :] = jnp.zeros((HID,), jnp.float32)
        return ()

    lax.fori_loop(0, C, zrow, ())
    for j in range(NPT // C):
        pltpu.sync_copy(lo_v, den_sh.at[pl.ds(sid * NPT + j * C, C)])
    plsc.subcore_barrier()

    def chunk(i, _):
        base = wid * WE + i * C
        pltpu.sync_copy(src.at[pl.ds(base, C)], src_v)
        pltpu.sync_copy(logits.at[pl.ds(base, C)], lo_v)

        def edge(e, _):
            lo_v[e, :] = jnp.exp(lo_v[e, :] - gm)
            return ()

        lax.fori_loop(0, C, edge, ())
        pltpu.sync_copy(lo_v, den_sh.at[src_v], add=True)
        return ()

    lax.fori_loop(0, NCHUNK, chunk, ())
    plsc.subcore_barrier()

    for j in range(NPT // C):
        pltpu.sync_copy(den_sh.at[pl.ds(sid * NPT + j * C, C)], lo_v)

        @pl.when(cid == 0)
        def _():
            pltpu.sync_copy(lo_v, den0.at[pl.ds(sid * NPT + j * C, C)])

        @pl.when(cid == 1)
        def _():
            pltpu.sync_copy(lo_v, den1.at[pl.ds(sid * NPT + j * C, C)])


def _p2(logits, src, wmax):
    f = pl.kernel(
        _p2_body,
        out_type=[
            jax.ShapeDtypeStruct((NP, HID), jnp.float32),
            jax.ShapeDtypeStruct((NP, HID), jnp.float32),
        ],
        mesh=_sc_mesh(),
        compiler_params=_SC_PARAMS,
        scratch_types=[
            pltpu.VMEM((C,), jnp.int32),
            pltpu.VMEM((C, HID), jnp.float32),
            pltpu.VMEM((NW, HID), jnp.float32),
            pltpu.VMEM_SHARED((NP, HID), jnp.float32),
        ],
    )
    return f(logits, src, wmax)


def kernel(x, edge_index, edge_attr, Wni, bni, Wnj, bnj, We, be, attn_proj,
           Wmsg, bmsg, Wout, bout):
    src = edge_index[0].astype(jnp.int32)
    dst = edge_index[1].astype(jnp.int32)

    aSrc, aDst, mDst = _node_proj(x, Wni, Wnj, Wmsg[:D], bni, bnj, bmsg)
    eH, eM = _edge_proj(edge_attr, We, Wmsg[D:], be)

    logits16, wmax = _p1(aSrc, aDst, eH, src, dst, attn_proj)
    logits = logits16[:, :H]
    gmax = wmax.max()
    ex = jnp.exp(logits - gmax)
    den = jnp.pad(jax.ops.segment_sum(ex, src, num_segments=N),
                  ((0, 0), (0, HID - H)))
    aggU = jax.ops.segment_sum(
        (mDst[dst] + eM).reshape(-1, H, HEAD) * ex[..., None],
        src, num_segments=N).reshape(N, D)
    return _out_proj(aggU, jnp.zeros((N, D), jnp.float32),
                     den, jnp.zeros((N, HID), jnp.float32), Wout, bout)

# --- scband reference (transcript-rebuilt; emitter-appended) ---
"""Pipeline reference for scband-graph-attention-27358941675733 (READ-ONLY COPY).

The authoritative reference and input builder live on the scoring server;
editing this copy changes nothing except your own understanding.
"""

import jax, jax.numpy as jnp
import numpy as np

N = 10000
E = 320000
D = 128
DE = 16
H = 8
HID = 16
HEAD = D // H


def setup_inputs(seed: int = 0) -> dict:
    key = jax.random.key(seed)
    ks = jax.random.split(key, 16)
    s = 0.05
    return {
        "x": jax.random.normal(ks[0], (N, D), dtype=jnp.float32),
        "edge_index": jax.random.randint(ks[1], (2, E), 0, N, dtype=jnp.int64),
        "edge_attr": jax.random.normal(ks[2], (E, DE), dtype=jnp.float32),
        "Wni": jax.random.normal(ks[3], (D, HID * H), dtype=jnp.float32) * s,
        "bni": jnp.zeros((HID * H,), dtype=jnp.float32),
        "Wnj": jax.random.normal(ks[4], (D, HID * H), dtype=jnp.float32) * s,
        "bnj": jnp.zeros((HID * H,), dtype=jnp.float32),
        "We": jax.random.normal(ks[5], (DE, HID * H), dtype=jnp.float32) * s,
        "be": jnp.zeros((HID * H,), dtype=jnp.float32),
        "attn_proj": jax.random.normal(ks[6], (H, HID), dtype=jnp.float32),
        "Wmsg": jax.random.normal(ks[7], (D + DE, D), dtype=jnp.float32) * s,
        "bmsg": jnp.zeros((D,), dtype=jnp.float32),
        "Wout": jax.random.normal(ks[8], (D, D), dtype=jnp.float32) * s,
        "bout": jnp.zeros((D,), dtype=jnp.float32),
    }


def reference(x, edge_index, edge_attr, Wni, bni, Wnj, bnj, We, be, attn_proj, Wmsg, bmsg, Wout, bout):
    src = edge_index[0]
    dst = edge_index[1]
    # gather endpoint node features per edge
    ni = x[src]
    nj = x[dst]
    ni_hidden = ni @ Wni + bni
    nj_hidden = nj @ Wnj + bnj
    e_hidden = edge_attr @ We + be
    hidden = ni_hidden + nj_hidden + e_hidden
    # leaky relu, negative_slope=0.2
    hidden = jnp.where(hidden >= 0, hidden, 0.2 * hidden)
    hidden = hidden.reshape(-1, H, HID)
    attn_logits = (hidden * attn_proj).sum(axis=-1)  # [E, H]
    # scatter softmax over destination-of-aggregation index (src, as in reference)
    seg_max = jax.ops.segment_max(attn_logits, src, num_segments=N)
    seg_max = jnp.where(jnp.isfinite(seg_max), seg_max, 0.0)
    ex = jnp.exp(attn_logits - seg_max[src])
    denom = jax.ops.segment_sum(ex, src, num_segments=N)
    attn_scores = ex / (denom[src] + 1e-16)  # [E, H]
    # messages
    messages = jnp.concatenate((nj, edge_attr), axis=-1) @ Wmsg + bmsg  # [E, D]
    messages = messages.reshape(-1, H, HEAD)
    messages = messages * attn_scores[..., None]
    agg = jax.ops.segment_sum(messages, src, num_segments=N)  # [N, H, HEAD]
    agg = agg.reshape(N, H * HEAD)
    out = agg @ Wout + bout
    return out

if __name__ == "__main__":
    import jax
    _d = setup_inputs()
    print(jax.jit(kernel)(*tuple(_d.values())))

</pallas_src>

<mosaic_0001>
#map = affine_map<(d0, d1) -> (0, 0)>
#map1 = affine_map<(d0, d1) -> (0)>
module attributes {stable_mosaic.version = 14 : i64} {
  func.func @_p1_body(%arg0: i32, %arg1: i32, %arg2: memref<10000x128xf32, #tpu.memory_space<hbm>>, %arg3: memref<10000x128xf32, #tpu.memory_space<hbm>>, %arg4: memref<320000x128xf32, #tpu.memory_space<hbm>>, %arg5: memref<320000xi32, #tpu.memory_space<hbm>>, %arg6: memref<320000xi32, #tpu.memory_space<hbm>>, %arg7: memref<8x16xf32, #tpu.memory_space<hbm>>, %arg8: memref<320000x16xf32, #tpu.memory_space<hbm>>, %arg9: memref<32x16xf32, #tpu.memory_space<hbm>>, %arg10: memref<80xi32, #tpu.memory_space<vmem>>, %arg11: memref<80xi32, #tpu.memory_space<vmem>>, %arg12: memref<80x128xf32, #tpu.memory_space<vmem>>, %arg13: memref<80x128xf32, #tpu.memory_space<vmem>>, %arg14: memref<80x128xf32, #tpu.memory_space<vmem>>, %arg15: memref<80x16xf32, #tpu.memory_space<vmem>>, %arg16: memref<16xf32, #tpu.memory_space<vmem>>, %arg17: memref<8x16xf32, #tpu.memory_space<vmem>>, %arg18: memref<!tpu.dma_semaphore, #tpu.memory_space<semaphore_mem>>, %arg19: memref<!tpu.dma_semaphore, #tpu.memory_space<semaphore_mem>>) attributes {dimension_semantics = [#tpu.dimension_semantics<core_parallel>, #tpu.dimension_semantics<subcore_parallel>], iteration_bounds = array<i64: 2, 16>, scalar_prefetch = 0 : i64, scratch_operands = 10 : i64, tpu.core_type = #tpu.core_type<sc_vector_subcore>, window_params = [{transform_indices = #map}, {transform_indices = #map}, {transform_indices = #map}, {transform_indices = #map1}, {transform_indices = #map1}, {transform_indices = #map}, {transform_indices = #map}, {transform_indices = #map}]} {
    %mul3A = arith.constant 2 : i32
    %mul3A_0 = arith.muli %arg1, %mul3A : i32
    %add3A = arith.addi %mul3A_0, %arg0 : i32
    "tpu.region"() ({
      %run_scoped3A = tpu.sem_alloc : memref<!tpu.dma_semaphore, #tpu.memory_space<semaphore_mem>>
      tpu.enqueue_dma source(%arg7 : memref<8x16xf32, #tpu.memory_space<hbm>>) target(%arg17 : memref<8x16xf32, #tpu.memory_space<vmem>>) target_semaphore(%run_scoped3A : memref<!tpu.dma_semaphore, #tpu.memory_space<semaphore_mem>>)
      tpu.wait_dma2 semaphore(%run_scoped3A : memref<!tpu.dma_semaphore, #tpu.memory_space<semaphore_mem>>) src(%arg7 : memref<8x16xf32, #tpu.memory_space<hbm>>) dst(%arg17 : memref<8x16xf32, #tpu.memory_space<vmem>>)
      tpu.yield
    }) : () -> ()
    %broadcast_in_dim3A = arith.constant -1.000000e+30 : f32
    %broadcast_in_dim3A_1 = vector.broadcast %broadcast_in_dim3A : f32 to vector<16xf32>
    %swap3A = arith.constant 0 : index
    %swap3A_2 = tpu.vector_load %arg16[%swap3A] {strides = array<i32>} : memref<16xf32, #tpu.memory_space<vmem>>, vector<16xf32>,
    tpu.vector_store %arg16[%swap3A], %broadcast_in_dim3A_1 {strides = array<i32>} : memref<16xf32, #tpu.memory_space<vmem>>, vector<16xf32>,
    %scan3A = arith.constant 0 : i32
    %scan3A_3 = arith.constant 125 : i32
    %scan3A_4 = arith.addi %scan3A, %scan3A_3 : i32
    %scan3A_5 = arith.constant 1 : i32
    scf.for %scan3A_7 = %scan3A to %scan3A_4 step %scan3A_5  : i32 {
      %mul3A_8 = arith.constant 10000 : i32
      %mul3A_9 = arith.muli %add3A, %mul3A_8 : i32
      %mul3A_10 = arith.constant 80 : i32
      %mul3A_11 = arith.muli %scan3A_7, %mul3A_10 : i32
      %add3A_12 = arith.addi %mul3A_9, %mul3A_11 : i32
      "tpu.region"() ({
        %run_scoped3A = tpu.sem_alloc : memref<!tpu.dma_semaphore, #tpu.memory_space<semaphore_mem>>
        %dma_start3A_32 = tpu.memref_slice %arg5[%add3A_12] : memref<320000xi32, #tpu.memory_space<hbm>> -> memref<80xi32, #tpu.memory_space<hbm>>
        %dma_start3A_33 = tpu.memref_slice %arg5[%add3A_12] : memref<320000xi32, #tpu.memory_space<hbm>> -> memref<80xi32, #tpu.memory_space<hbm>>
        tpu.enqueue_dma source(%dma_start3A_33 : memref<80xi32, #tpu.memory_space<hbm>>) target(%arg10 : memref<80xi32, #tpu.memory_space<vmem>>) target_semaphore(%run_scoped3A : memref<!tpu.dma_semaphore, #tpu.memory_space<semaphore_mem>>)
        %dma_wait3A_34 = tpu.memref_slice %arg5[%add3A_12] : memref<320000xi32, #tpu.memory_space<hbm>> -> memref<80xi32, #tpu.memory_space<hbm>>
        %dma_wait3A_35 = tpu.memref_slice %arg5[%add3A_12] : memref<320000xi32, #tpu.memory_space<hbm>> -> memref<80xi32, #tpu.memory_space<hbm>>
        tpu.wait_dma2 semaphore(%run_scoped3A : memref<!tpu.dma_semaphore, #tpu.memory_space<semaphore_mem>>) src(%dma_wait3A_35 : memref<80xi32, #tpu.memory_space<hbm>>) dst(%arg10 : memref<80xi32, #tpu.memory_space<vmem>>)
        tpu.yield
      }) : () -> ()
      "tpu.region"() ({
        %run_scoped3A = tpu.sem_alloc : memref<!tpu.dma_semaphore, #tpu.memory_space<semaphore_mem>>
        %dma_start3A_32 = tpu.memref_slice %arg6[%add3A_12] : memref<320000xi32, #tpu.memory_space<hbm>> -> memref<80xi32, #tpu.memory_space<hbm>>
        %dma_start3A_33 = tpu.memref_slice %arg6[%add3A_12] : memref<320000xi32, #tpu.memory_space<hbm>> -> memref<80xi32, #tpu.memory_space<hbm>>
        tpu.enqueue_dma source(%dma_start3A_33 : memref<80xi32, #tpu.memory_space<hbm>>) target(%arg11 : memref<80xi32, #tpu.memory_space<vmem>>) target_semaphore(%run_scoped3A : memref<!tpu.dma_semaphore, #tpu.memory_space<semaphore_mem>>)
        %dma_wait3A_34 = tpu.memref_slice %arg6[%add3A_12] : memref<320000xi32, #tpu.memory_space<hbm>> -> memref<80xi32, #tpu.memory_space<hbm>>
        %dma_wait3A_35 = tpu.memref_slice %arg6[%add3A_12] : memref<320000xi32, #tpu.memory_space<hbm>> -> memref<80xi32, #tpu.memory_space<hbm>>
        tpu.wait_dma2 semaphore(%run_scoped3A : memref<!tpu.dma_semaphore, #tpu.memory_space<semaphore_mem>>) src(%dma_wait3A_35 : memref<80xi32, #tpu.memory_space<hbm>>) dst(%arg11 : memref<80xi32, #tpu.memory_space<vmem>>)
        tpu.yield
      }) : () -> ()
      %dma_start3A = arith.constant 0 : i32
      %dma_start3A_13 = arith.constant 0 : i32
      %dma_start3A_14 = tpu.memref_slice %arg2[%dma_start3A, %dma_start3A_13] : memref<10000x128xf32, #tpu.memory_space<hbm>> -> memref<10000x128xf32, #tpu.memory_space<hbm>>
      tpu.enqueue_indirect_dma source(%dma_start3A_14 : memref<10000x128xf32, #tpu.memory_space<hbm>>) target(%arg12 : memref<80x128xf32, #tpu.memory_space<vmem>>) offsets(%arg10 : memref<80xi32, #tpu.memory_space<vmem>>) semaphore(%arg18 : memref<!tpu.dma_semaphore, #tpu.memory_space<semaphore_mem>>)
      %dma_start3A_15 = arith.constant 0 : i32
      %dma_start3A_16 = arith.constant 0 : i32
      %dma_start3A_17 = tpu.memref_slice %arg3[%dma_start3A_15, %dma_start3A_16] : memref<10000x128xf32, #tpu.memory_space<hbm>> -> memref<10000x128xf32, #tpu.memory_space<hbm>>
      tpu.enqueue_indirect_dma source(%dma_start3A_17 : memref<10000x128xf32, #tpu.memory_space<hbm>>) target(%arg13 : memref<80x128xf32, #tpu.memory_space<vmem>>) offsets(%arg11 : memref<80xi32, #tpu.memory_space<vmem>>) semaphore(%arg19 : memref<!tpu.dma_semaphore, #tpu.memory_space<semaphore_mem>>)
      "tpu.region"() ({
        %run_scoped3A = tpu.sem_alloc : memref<!tpu.dma_semaphore, #tpu.memory_space<semaphore_mem>>
        %dma_start3A_32 = arith.constant 0 : i32
        %dma_start3A_33 = tpu.memref_slice %arg4[%add3A_12, %dma_start3A_32] : memref<320000x128xf32, #tpu.memory_space<hbm>> -> memref<80x128xf32, #tpu.memory_space<hbm>>
        %dma_start3A_34 = arith.constant 0 : i32
        %dma_start3A_35 = tpu.memref_slice %arg4[%add3A_12, %dma_start3A_34] : memref<320000x128xf32, #tpu.memory_space<hbm>> -> memref<80x128xf32, #tpu.memory_space<hbm>>
        tpu.enqueue_dma source(%dma_start3A_35 : memref<80x128xf32, #tpu.memory_space<hbm>>) target(%arg14 : memref<80x128xf32, #tpu.memory_space<vmem>>) target_semaphore(%run_scoped3A : memref<!tpu.dma_semaphore, #tpu.memory_space<semaphore_mem>>)
        %dma_wait3A_36 = arith.constant 0 : i32
        %dma_wait3A_37 = tpu.memref_slice %arg4[%add3A_12, %dma_wait3A_36] : memref<320000x128xf32, #tpu.memory_space<hbm>> -> memref<80x128xf32, #tpu.memory_space<hbm>>
        %dma_wait3A_38 = arith.constant 0 : i32
        %dma_wait3A_39 = tpu.memref_slice %arg4[%add3A_12, %dma_wait3A_38] : memref<320000x128xf32, #tpu.memory_space<hbm>> -> memref<80x128xf32, #tpu.memory_space<hbm>>
        tpu.wait_dma2 semaphore(%run_scoped3A : memref<!tpu.dma_semaphore, #tpu.memory_space<semaphore_mem>>) src(%dma_wait3A_39 : memref<80x128xf32, #tpu.memory_space<hbm>>) dst(%arg14 : memref<80x128xf32, #tpu.memory_space<vmem>>)
        tpu.yield
      }) : () -> ()
      %dma_wait3A = arith.constant 0 : i32
      %dma_wait3A_18 = arith.constant 0 : i32
      %dma_wait3A_19 = tpu.memref_slice %arg2[%dma_wait3A, %dma_wait3A_18] : memref<10000x128xf32, #tpu.memory_space<hbm>> -> memref<10000x128xf32, #tpu.memory_space<hbm>>
      tpu.wait_indirect_dma semaphore(%arg18 : memref<!tpu.dma_semaphore, #tpu.memory_space<semaphore_mem>>) src(%dma_wait3A_19 : memref<10000x128xf32, #tpu.memory_space<hbm>>) dst(%arg12 : memref<80x128xf32, #tpu.memory_space<vmem>>)
      %dma_wait3A_20 = arith.constant 0 : i32
      %dma_wait3A_21 = arith.constant 0 : i32
      %dma_wait3A_22 = tpu.memref_slice %arg3[%dma_wait3A_20, %dma_wait3A_21] : memref<10000x128xf32, #tpu.memory_space<hbm>> -> memref<10000x128xf32, #tpu.memory_space<hbm>>
      tpu.wait_indirect_dma semaphore(%arg19 : memref<!tpu.dma_semaphore, #tpu.memory_space<semaphore_mem>>) src(%dma_wait3A_22 : memref<10000x128xf32, #tpu.memory_space<hbm>>) dst(%arg13 : memref<80x128xf32, #tpu.memory_space<vmem>>)
      %get3A = arith.constant 0 : index
      %get3A_23 = tpu.vector_load %arg16[%get3A] {strides = array<i32>} : memref<16xf32, #tpu.memory_space<vmem>>, vector<16xf32>,
      %scan3A_24 = arith.constant 0 : i32
      %scan3A_25 = arith.constant 80 : i32
      %scan3A_26 = arith.addi %scan3A_24, %scan3A_25 : i32
      %scan3A_27 = arith.constant 1 : i32
      %scan3A_28 = scf.for %scan3A_32 = %scan3A_24 to %scan3A_26 step %scan3A_27 iter_args(%scan3A_33 = %get3A_23) -> (vector<16xf32>)  : i32 {
        %broadcast_in_dim3A_34 = arith.constant -1.000000e+30 : f32
        %broadcast_in_dim3A_35 = vector.broadcast %broadcast_in_dim3A_34 : f32 to vector<16xf32>
        %get3A_36 = arith.index_cast %scan3A_32 : i32 to index
        %get3A_37 = arith.constant 0 : index
        %get3A_38 = tpu.vector_load %arg12[%get3A_36, %get3A_37] {strides = array<i32>} : memref<80x128xf32, #tpu.memory_space<vmem>>, vector<16xf32>,
        %get3A_39 = arith.index_cast %scan3A_32 : i32 to index
        %get3A_40 = arith.constant 0 : index
        %get3A_41 = tpu.vector_load %arg13[%get3A_39, %get3A_40] {strides = array<i32>} : memref<80x128xf32, #tpu.memory_space<vmem>>, vector<16xf32>,
        %add3A_42 = arith.addf %get3A_38, %get3A_41 : vector<16xf32>
        %get3A_43 = arith.index_cast %scan3A_32 : i32 to index
        %get3A_44 = arith.constant 0 : index
        %get3A_45 = tpu.vector_load %arg14[%get3A_43, %get3A_44] {strides = array<i32>} : memref<80x128xf32, #tpu.memory_space<vmem>>, vector<16xf32>,
        %add3A_46 = arith.addf %add3A_42, %get3A_45 : vector<16xf32>
        %mul3A_47 = arith.constant 2.000000e-01 : f32
        %mul3A_48 = vector.broadcast %mul3A_47 : f32 to vector<16xf32>
        %mul3A_49 = arith.mulf %mul3A_48, %add3A_46 : vector<16xf32>
        %max3A = arith.maximumf %add3A_46, %mul3A_49 : vector<16xf32>
        %get3A_50 = arith.constant 0 : i32
        %get3A_51 = arith.index_cast %get3A_50 : i32 to index
        %get3A_52 = arith.constant 0 : index
        %get3A_53 = tpu.vector_load %arg17[%get3A_51, %get3A_52] {strides = array<i32>} : memref<8x16xf32, #tpu.memory_space<vmem>>, vector<16xf32>,
        %mul3A_54 = arith.mulf %max3A, %get3A_53 : vector<16xf32>
        %reduce_sum3A = arith.constant true
        %reduce_sum3A_55 = vector.broadcast %reduce_sum3A : i1 to vector<16xi1>
        %reduce_sum3A_56 = tpu.scan <sum>, %mul3A_54 masked %reduce_sum3A_55 : vector<16xf32>, vector<16xi1> -> vector<16xf32>
        %reduce_sum3A_57 = vector.extract %reduce_sum3A_56[15] : f32 from vector<16xf32>
        %iota3A = tpu.iota {dimensions = array<i32: 0>} : vector<16xi32>
        %eq3A = arith.constant 0 : i32
        %eq3A_58 = vector.broadcast %eq3A : i32 to vector<16xi32>
        %eq3A_59 = arith.cmpi eq, %iota3A, %eq3A_58 : vector<16xi32>
        %broadcast_in_dim3A_60 = vector.broadcast %reduce_sum3A_57 : f32 to vector<16xf32>
        %select_n3A = arith.select %eq3A_59, %broadcast_in_dim3A_60, %broadcast_in_dim3A_35 : vector<16xi1>, vector<16xf32>
        %get3A_61 = arith.index_cast %scan3A_32 : i32 to index
        %get3A_62 = arith.constant 16 : index
        %get3A_63 = tpu.vector_load %arg12[%get3A_61, %get3A_62] {strides = array<i32>} : memref<80x128xf32, #tpu.memory_space<vmem>>, vector<16xf32>,
        %get3A_64 = arith.index_cast %scan3A_32 : i32 to index
        %get3A_65 = arith.constant 16 : index
        %get3A_66 = tpu.vector_load %arg13[%get3A_64, %get3A_65] {strides = array<i32>} : memref<80x128xf32, #tpu.memory_space<vmem>>, vector<16xf32>,
        %add3A_67 = arith.addf %get3A_63, %get3A_66 : vector<16xf32>
        %get3A_68 = arith.index_cast %scan3A_32 : i32 to index
        %get3A_69 = arith.constant 16 : index
        %get3A_70 = tpu.vector_load %arg14[%get3A_68, %get3A_69] {strides = array<i32>} : memref<80x128xf32, #tpu.memory_space<vmem>>, vector<16xf32>,
        %add3A_71 = arith.addf %add3A_67, %get3A_70 : vector<16xf32>
        %mul3A_72 = arith.constant 2.000000e-01 : f32
        %mul3A_73 = vector.broadcast %mul3A_72 : f32 to vector<16xf32>
        %mul3A_74 = arith.mulf %mul3A_73, %add3A_71 : vector<16xf32>
        %max3A_75 = arith.maximumf %add3A_71, %mul3A_74 : vector<16xf32>
        %get3A_76 = arith.constant 1 : i32
        %get3A_77 = arith.index_cast %get3A_76 : i32 to index
        %get3A_78 = arith.constant 0 : index
        %get3A_79 = tpu.vector_load %arg17[%get3A_77, %get3A_78] {strides = array<i32>} : memref<8x16xf32, #tpu.memory_space<vmem>>, vector<16xf32>,
        %mul3A_80 = arith.mulf %max3A_75, %get3A_79 : vector<16xf32>
        %reduce_sum3A_81 = arith.constant true
        %reduce_sum3A_82 = vector.broadcast %reduce_sum3A_81 : i1 to vector<16xi1>
        %reduce_sum3A_83 = tpu.scan <sum>, %mul3A_80 masked %reduce_sum3A_82 : vector<16xf32>, vector<16xi1> -> vector<16xf32>
        %reduce_sum3A_84 = vector.extract %reduce_sum3A_83[15] : f32 from vector<16xf32>
        %iota3A_85 = tpu.iota {dimensions = array<i32: 0>} : vector<16xi32>
        %eq3A_86 = arith.constant 1 : i32
        %eq3A_87 = vector.broadcast %eq3A_86 : i32 to vector<16xi32>
        %eq3A_88 = arith.cmpi eq, %iota3A_85, %eq3A_87 : vector<16xi32>
        %broadcast_in_dim3A_89 = vector.broadcast %reduce_sum3A_84 : f32 to vector<16xf32>
        %select_n3A_90 = arith.select %eq3A_88, %broadcast_in_dim3A_89, %select_n3A : vector<16xi1>, vector<16xf32>
        %get3A_91 = arith.index_cast %scan3A_32 : i32 to index
        %get3A_92 = arith.constant 32 : index
        %get3A_93 = tpu.vector_load %arg12[%get3A_91, %get3A_92] {strides = array<i32>} : memref<80x128xf32, #tpu.memory_space<vmem>>, vector<16xf32>,
        %get3A_94 = arith.index_cast %scan3A_32 : i32 to index
        %get3A_95 = arith.constant 32 : index
        %get3A_96 = tpu.vector_load %arg13[%get3A_94, %get3A_95] {strides = array<i32>} : memref<80x128xf32, #tpu.memory_space<vmem>>, vector<16xf32>,
        %add3A_97 = arith.addf %get3A_93, %get3A_96 : vector<16xf32>
        %get3A_98 = arith.index_cast %scan3A_32 : i32 to index
        %get3A_99 = arith.constant 32 : index
        %get3A_100 = tpu.vector_load %arg14[%get3A_98, %get3A_99] {strides = array<i32>} : memref<80x128xf32, #tpu.memory_space<vmem>>, vector<16xf32>,
        %add3A_101 = arith.addf %add3A_97, %get3A_100 : vector<16xf32>
        %mul3A_102 = arith.constant 2.000000e-01 : f32
        %mul3A_103 = vector.broadcast %mul3A_102 : f32 to vector<16xf32>
        %mul3A_104 = arith.mulf %mul3A_103, %add3A_101 : vector<16xf32>
        %max3A_105 = arith.maximumf %add3A_101, %mul3A_104 : vector<16xf32>
        %get3A_106 = arith.constant 2 : i32
        %get3A_107 = arith.index_cast %get3A_106 : i32 to index
        %get3A_108 = arith.constant 0 : index
        %get3A_109 = tpu.vector_load %arg17[%get3A_107, %get3A_108] {strides = array<i32>} : memref<8x16xf32, #tpu.memory_space<vmem>>, vector<16xf32>,
        %mul3A_110 = arith.mulf %max3A_105, %get3A_109 : vector<16xf32>
        %reduce_sum3A_111 = arith.constant true
        %reduce_sum3A_112 = vector.broadcast %reduce_sum3A_111 : i1 to vector<16xi1>
        %reduce_sum3A_113 = tpu.scan <sum>, %mul3A_110 masked %reduce_sum3A_112 : vector<16xf32>, vector<16xi1> -> vector<16xf32>
        %reduce_sum3A_114 = vector.extract %reduce_sum3A_113[15] : f32 from vector<16xf32>
        %iota3A_115 = tpu.iota {dimensions = array<i32: 0>} : vector<16xi32>
        %eq3A_116 = arith.constant 2 : i32
        %eq3A_117 = vector.broadcast %eq3A_116 : i32 to vector<16xi32>
        %eq3A_118 = arith.cmpi eq, %iota3A_115, %eq3A_117 : vector<16xi32>
        %broadcast_in_dim3A_119 = vector.broadcast %reduce_sum3A_114 : f32 to vector<16xf32>
        %select_n3A_120 = arith.select %eq3A_118, %broadcast_in_dim3A_119, %select_n3A_90 : vector<16xi1>, vector<16xf32>
        %get3A_121 = arith.index_cast %scan3A_32 : i32 to index
        %get3A_122 = arith.constant 48 : index
        %get3A_123 = tpu.vector_load %arg12[%get3A_121, %get3A_122] {strides = array<i32>} : memref<80x128xf32, #tpu.memory_space<vmem>>, vector<16xf32>,
        %get3A_124 = arith.index_cast %scan3A_32 : i32 to index
        %get3A_125 = arith.constant 48 : index
        %get3A_126 = tpu.vector_load %arg13[%get3A_124, %get3A_125] {strides = array<i32>} : memref<80x128xf32, #tpu.memory_space<vmem>>, vector<16xf32>,
        %add3A_127 = arith.addf %get3A_123, %get3A_126 : vector<16xf32>
        %get3A_128 = arith.index_cast %scan3A_32 : i32 to index
        %get3A_129 = arith.constant 48 : index
        %get3A_130 = tpu.vector_load %arg14[%get3A_128, %get3A_129] {strides = array<i32>} : memref<80x128xf32, #tpu.memory_space<vmem>>, vector<16xf32>,
        %add3A_131 = arith.addf %add3A_127, %get3A_130 : vector<16xf32>
        %mul3A_132 = arith.constant 2.000000e-01 : f32
        %mul3A_133 = vector.broadcast %mul3A_132 : f32 to vector<16xf32>
        %mul3A_134 = arith.mulf %mul3A_133, %add3A_131 : vector<16xf32>
        %max3A_135 = arith.maximumf %add3A_131, %mul3A_134 : vector<16xf32>
        %get3A_136 = arith.constant 3 : i32
        %get3A_137 = arith.index_cast %get3A_136 : i32 to index
        %get3A_138 = arith.constant 0 : index
        %get3A_139 = tpu.vector_load %arg17[%get3A_137, %get3A_138] {strides = array<i32>} : memref<8x16xf32, #tpu.memory_space<vmem>>, vector<16xf32>,
        %mul3A_140 = arith.mulf %max3A_135, %get3A_139 : vector<16xf32>
        %reduce_sum3A_141 = arith.constant true
        %reduce_sum3A_142 = vector.broadcast %reduce_sum3A_141 : i1 to vector<16xi1>
        %reduce_sum3A_143 = tpu.scan <sum>, %mul3A_140 masked %reduce_sum3A_142 : vector<16xf32>, vector<16xi1> -> vector<16xf32>
        %reduce_sum3A_144 = vector.extract %reduce_sum3A_143[15] : f32 from vector<16xf32>
        %iota3A_145 = tpu.iota {dimensions = array<i32: 0>} : vector<16xi32>
        %eq3A_146 = arith.constant 3 : i32
        %eq3A_147 = vector.broadcast %eq3A_146 : i32 to vector<16xi32>
        %eq3A_148 = arith.cmpi eq, %iota3A_145, %eq3A_147 : vector<16xi32>
        %broadcast_in_dim3A_149 = vector.broadcast %reduce_sum3A_144 : f32 to vector<16xf32>
        %select_n3A_150 = arith.select %eq3A_148, %broadcast_in_dim3A_149, %select_n3A_120 : vector<16xi1>, vector<16xf32>
        %get3A_151 = arith.index_cast %scan3A_32 : i32 to index
        %get3A_152 = arith.constant 64 : index
        %get3A_153 = tpu.vector_load %arg12[%get3A_151, %get3A_152] {strides = array<i32>} : memref<80x128xf32, #tpu.memory_space<vmem>>, vector<16xf32>,
        %get3A_154 = arith.index_cast %scan3A_32 : i32 to index
        %get3A_155 = arith.constant 64 : index
        %get3A_156 = tpu.vector_load %arg13[%get3A_154, %get3A_155] {strides = array<i32>} : memref<80x128xf32, #tpu.memory_space<vmem>>, vector<16xf32>,
        %add3A_157 = arith.addf %get3A_153, %get3A_156 : vector<16xf32>
        %get3A_158 = arith.index_cast %scan3A_32 : i32 to index
        %get3A_159 = arith.constant 64 : index
        %get3A_160 = tpu.vector_load %arg14[%get3A_158, %get3A_159] {strides = array<i32>} : memref<80x128xf32, #tpu.memory_space<vmem>>, vector<16xf32>,
        %add3A_161 = arith.addf %add3A_157, %get3A_160 : vector<16xf32>
        %mul3A_162 = arith.constant 2.000000e-01 : f32
        %mul3A_163 = vector.broadcast %mul3A_162 : f32 to vector<16xf32>
        %mul3A_164 = arith.mulf %mul3A_163, %add3A_161 : vector<16xf32>
        %max3A_165 = arith.maximumf %add3A_161, %mul3A_164 : vector<16xf32>
        %get3A_166 = arith.constant 4 : i32
        %get3A_167 = arith.index_cast %get3A_166 : i32 to index
        %get3A_168 = arith.constant 0 : index
        %get3A_169 = tpu.vector_load %arg17[%get3A_167, %get3A_168] {strides = array<i32>} : memref<8x16xf32, #tpu.memory_space<vmem>>, vector<16xf32>,
        %mul3A_170 = arith.mulf %max3A_165, %get3A_169 : vector<16xf32>
        %reduce_sum3A_171 = arith.constant true
        %reduce_sum3A_172 = vector.broadcast %reduce_sum3A_171 : i1 to vector<16xi1>
        %reduce_sum3A_173 = tpu.scan <sum>, %mul3A_170 masked %reduce_sum3A_172 : vector<16xf32>, vector<16xi1> -> vector<16xf32>
        %reduce_sum3A_174 = vector.extract %reduce_sum3A_173[15] : f32 from vector<16xf32>
        %iota3A_175 = tpu.iota {dimensions = array<i32: 0>} : vector<16xi32>
        %eq3A_176 = arith.constant 4 : i32
        %eq3A_177 = vector.broadcast %eq3A_176 : i32 to vector<16xi32>
        %eq3A_178 = arith.cmpi eq, %iota3A_175, %eq3A_177 : vector<16xi32>
        %broadcast_in_dim3A_179 = vector.broadcast %reduce_sum3A_174 : f32 to vector<16xf32>
        %select_n3A_180 = arith.select %eq3A_178, %broadcast_in_dim3A_179, %select_n3A_150 : vector<16xi1>, vector<16xf32>
        %get3A_181 = arith.index_cast %scan3A_32 : i32 to index
        %get3A_182 = arith.constant 80 : index
        %get3A_183 = tpu.vector_load %arg12[%get3A_181, %get3A_182] {strides = array<i32>} : memref<80x128xf32, #tpu.memory_space<vmem>>, vector<16xf32>,
        %get3A_184 = arith.index_cast %scan3A_32 : i32 to index
        %get3A_185 = arith.constant 80 : index
        %get3A_186 = tpu.vector_load %arg13[%get3A_184, %get3A_185] {strides = array<i32>} : memref<80x128xf32, #tpu.memory_space<vmem>>, vector<16xf32>,
        %add3A_187 = arith.addf %get3A_183, %get3A_186 : vector<16xf32>
        %get3A_188 = arith.index_cast %scan3A_32 : i32 to index
        %get3A_189 = arith.constant 80 : index
        %get3A_190 = tpu.vector_load %arg14[%get3A_188, %get3A_189] {strides = array<i32>} : memref<80x128xf32, #tpu.memory_space<vmem>>, vector<16xf32>,
        %add3A_191 = arith.addf %add3A_187, %get3A_190 : vector<16xf32>
        %mul3A_192 = arith.constant 2.000000e-01 : f32
        %mul3A_193 = vector.broadcast %mul3A_192 : f32 to vector<16xf32>
        %mul3A_194 = arith.mulf %mul3A_193, %add3A_191 : vector<16xf32>
        %max3A_195 = arith.maximumf %add3A_191, %mul3A_194 : vector<16xf32>
        %get3A_196 = arith.constant 5 : i32
        %get3A_197 = arith.index_cast %get3A_196 : i32 to index
        %get3A_198 = arith.constant 0 : index
        %get3A_199 = tpu.vector_load %arg17[%get3A_197, %get3A_198] {strides = array<i32>} : memref<8x16xf32, #tpu.memory_space<vmem>>, vector<16xf32>,
        %mul3A_200 = arith.mulf %max3A_195, %get3A_199 : vector<16xf32>
        %reduce_sum3A_201 = arith.constant true
        %reduce_sum3A_202 = vector.broadcast %reduce_sum3A_201 : i1 to vector<16xi1>
        %reduce_sum3A_203 = tpu.scan <sum>, %mul3A_200 masked %reduce_sum3A_202 : vector<16xf32>, vector<16xi1> -> vector<16xf32>
        %reduce_sum3A_204 = vector.extract %reduce_sum3A_203[15] : f32 from vector<16xf32>
        %iota3A_205 = tpu.iota {dimensions = array<i32: 0>} : vector<16xi32>
        %eq3A_206 = arith.constant 5 : i32
        %eq3A_207 = vector.broadcast %eq3A_206 : i32 to vector<16xi32>
        %eq3A_208 = arith.cmpi eq, %iota3A_205, %eq3A_207 : vector<16xi32>
        %broadcast_in_dim3A_209 = vector.broadcast %reduce_sum3A_204 : f32 to vector<16xf32>
        %select_n3A_210 = arith.select %eq3A_208, %broadcast_in_dim3A_209, %select_n3A_180 : vector<16xi1>, vector<16xf32>
        %get3A_211 = arith.index_cast %scan3A_32 : i32 to index
        %get3A_212 = arith.constant 96 : index
        %get3A_213 = tpu.vector_load %arg12[%get3A_211, %get3A_212] {strides = array<i32>} : memref<80x128xf32, #tpu.memory_space<vmem>>, vector<16xf32>,
        %get3A_214 = arith.index_cast %scan3A_32 : i32 to index
        %get3A_215 = arith.constant 96 : index
        %get3A_216 = tpu.vector_load %arg13[%get3A_214, %get3A_215] {strides = array<i32>} : memref<80x128xf32, #tpu.memory_space<vmem>>, vector<16xf32>,
        %add3A_217 = arith.addf %get3A_213, %get3A_216 : vector<16xf32>
        %get3A_218 = arith.index_cast %scan3A_32 : i32 to index
        %get3A_219 = arith.constant 96 : index
        %get3A_220 = tpu.vector_load %arg14[%get3A_218, %get3A_219] {strides = array<i32>} : memref<80x128xf32, #tpu.memory_space<vmem>>, vector<16xf32>,
        %add3A_221 = arith.addf %add3A_217, %get3A_220 : vector<16xf32>
        %mul3A_222 = arith.constant 2.000000e-01 : f32
        %mul3A_223 = vector.broadcast %mul3A_222 : f32 to vector<16xf32>
        %mul3A_224 = arith.mulf %mul3A_223, %add3A_221 : vector<16xf32>
        %max3A_225 = arith.maximumf %add3A_221, %mul3A_224 : vector<16xf32>
        %get3A_226 = arith.constant 6 : i32
        %get3A_227 = arith.index_cast %get3A_226 : i32 to index
        %get3A_228 = arith.constant 0 : index
        %get3A_229 = tpu.vector_load %arg17[%get3A_227, %get3A_228] {strides = array<i32>} : memref<8x16xf32, #tpu.memory_space<vmem>>, vector<16xf32>,
        %mul3A_230 = arith.mulf %max3A_225, %get3A_229 : vector<16xf32>
        %reduce_sum3A_231 = arith.constant true
        %reduce_sum3A_232 = vector.broadcast %reduce_sum3A_231 : i1 to vector<16xi1>
        %reduce_sum3A_233 = tpu.scan <sum>, %mul3A_230 masked %reduce_sum3A_232 : vector<16xf32>, vector<16xi1> -> vector<16xf32>
        %reduce_sum3A_234 = vector.extract %reduce_sum3A_233[15] : f32 from vector<16xf32>
        %iota3A_235 = tpu.iota {dimensions = array<i32: 0>} : vector<16xi32>
        %eq3A_236 = arith.constant 6 : i32
        %eq3A_237 = vector.broadcast %eq3A_236 : i32 to vector<16xi32>
        %eq3A_238 = arith.cmpi eq, %iota3A_235, %eq3A_237 : vector<16xi32>
        %broadcast_in_dim3A_239 = vector.broadcast %reduce_sum3A_234 : f32 to vector<16xf32>
        %select_n3A_240 = arith.select %eq3A_238, %broadcast_in_dim3A_239, %select_n3A_210 : vector<16xi1>, vector<16xf32>
        %get3A_241 = arith.index_cast %scan3A_32 : i32 to index
        %get3A_242 = arith.constant 112 : index
        %get3A_243 = tpu.vector_load %arg12[%get3A_241, %get3A_242] {strides = array<i32>} : memref<80x128xf32, #tpu.memory_space<vmem>>, vector<16xf32>,
        %get3A_244 = arith.index_cast %scan3A_32 : i32 to index
        %get3A_245 = arith.constant 112 : index
        %get3A_246 = tpu.vector_load %arg13[%get3A_244, %get3A_245] {strides = array<i32>} : memref<80x128xf32, #tpu.memory_space<vmem>>, vector<16xf32>,
        %add3A_247 = arith.addf %get3A_243, %get3A_246 : vector<16xf32>
        %get3A_248 = arith.index_cast %scan3A_32 : i32 to index
        %get3A_249 = arith.constant 112 : index
        %get3A_250 = tpu.vector_load %arg14[%get3A_248, %get3A_249] {strides = array<i32>} : memref<80x128xf32, #tpu.memory_space<vmem>>, vector<16xf32>,
        %add3A_251 = arith.addf %add3A_247, %get3A_250 : vector<16xf32>
        %mul3A_252 = arith.constant 2.000000e-01 : f32
        %mul3A_253 = vector.broadcast %mul3A_252 : f32 to vector<16xf32>
        %mul3A_254 = arith.mulf %mul3A_253, %add3A_251 : vector<16xf32>
        %max3A_255 = arith.maximumf %add3A_251, %mul3A_254 : vector<16xf32>
        %get3A_256 = arith.constant 7 : i32
        %get3A_257 = arith.index_cast %get3A_256 : i32 to index
        %get3A_258 = arith.constant 0 : index
        %get3A_259 = tpu.vector_load %arg17[%get3A_257, %get3A_258] {strides = array<i32>} : memref<8x16xf32, #tpu.memory_space<vmem>>, vector<16xf32>,
        %mul3A_260 = arith.mulf %max3A_255, %get3A_259 : vector<16xf32>
        %reduce_sum3A_261 = arith.constant true
        %reduce_sum3A_262 = vector.broadcast %reduce_sum3A_261 : i1 to vector<16xi1>
        %reduce_sum3A_263 = tpu.scan <sum>, %mul3A_260 masked %reduce_sum3A_262 : vector<16xf32>, vector<16xi1> -> vector<16xf32>
        %reduce_sum3A_264 = vector.extract %reduce_sum3A_263[15] : f32 from vector<16xf32>
        %iota3A_265 = tpu.iota {dimensions = array<i32: 0>} : vector<16xi32>
        %eq3A_266 = arith.constant 7 : i32
        %eq3A_267 = vector.broadcast %eq3A_266 : i32 to vector<16xi32>
        %eq3A_268 = arith.cmpi eq, %iota3A_265, %eq3A_267 : vector<16xi32>
        %broadcast_in_dim3A_269 = vector.broadcast %reduce_sum3A_264 : f32 to vector<16xf32>
        %select_n3A_270 = arith.select %eq3A_268, %broadcast_in_dim3A_269, %select_n3A_240 : vector<16xi1>, vector<16xf32>
        %swap3A_271 = arith.index_cast %scan3A_32 : i32 to index
        %swap3A_272 = arith.constant 0 : index
        %swap3A_273 = tpu.vector_load %arg15[%swap3A_271, %swap3A_272] {strides = array<i32>} : memref<80x16xf32, #tpu.memory_space<vmem>>, vector<16xf32>,
        tpu.vector_store %arg15[%swap3A_271, %swap3A_272], %select_n3A_270 {strides = array<i32>} : memref<80x16xf32, #tpu.memory_space<vmem>>, vector<16xf32>,
        %max3A_274 = arith.maximumf %scan3A_33, %select_n3A_270 : vector<16xf32>
        scf.yield %max3A_274 : vector<16xf32>
      }
      %scan3A_29 = arith.constant 80 : i32
      %swap3A_30 = arith.constant 0 : index
      %swap3A_31 = tpu.vector_load %arg16[%swap3A_30] {strides = array<i32>} : memref<16xf32, #tpu.memory_space<vmem>>, vector<16xf32>,
      tpu.vector_store %arg16[%swap3A_30], %scan3A_28 {strides = array<i32>} : memref<16xf32, #tpu.memory_space<vmem>>, vector<16xf32>,
      "tpu.region"() ({
        %run_scoped3A = tpu.sem_alloc : memref<!tpu.dma_semaphore, #tpu.memory_space<semaphore_mem>>
        %dma_start3A_32 = arith.constant 0 : i32
        %dma_start3A_33 = tpu.memref_slice %arg8[%add3A_12, %dma_start3A_32] : memref<320000x16xf32, #tpu.memory_space<hbm>> -> memref<80x16xf32, #tpu.memory_space<hbm>>
        %dma_start3A_34 = arith.constant 0 : i32
        %dma_start3A_35 = tpu.memref_slice %arg8[%add3A_12, %dma_start3A_34] : memref<320000x16xf32, #tpu.memory_space<hbm>> -> memref<80x16xf32, #tpu.memory_space<hbm>>
        tpu.enqueue_dma source(%arg15 : memref<80x16xf32, #tpu.memory_space<vmem>>) target(%dma_start3A_35 : memref<80x16xf32, #tpu.memory_space<hbm>>) target_semaphore(%run_scoped3A : memref<!tpu.dma_semaphore, #tpu.memory_space<semaphore_mem>>)
        %dma_wait3A_36 = arith.constant 0 : i32
        %dma_wait3A_37 = tpu.memref_slice %arg8[%add3A_12, %dma_wait3A_36] : memref<320000x16xf32, #tpu.memory_space<hbm>> -> memref<80x16xf32, #tpu.memory_space<hbm>>
        %dma_wait3A_38 = arith.constant 0 : i32
        %dma_wait3A_39 = tpu.memref_slice %arg8[%add3A_12, %dma_wait3A_38] : memref<320000x16xf32, #tpu.memory_space<hbm>> -> memref<80x16xf32, #tpu.memory_space<hbm>>
        tpu.wait_dma2 semaphore(%run_scoped3A : memref<!tpu.dma_semaphore, #tpu.memory_space<semaphore_mem>>) src(%arg15 : memref<80x16xf32, #tpu.memory_space<vmem>>) dst(%dma_wait3A_39 : memref<80x16xf32, #tpu.memory_space<hbm>>)
        tpu.yield
      }) : () -> ()
    }
    %scan3A_6 = arith.constant 125 : i32
    "tpu.region"() ({
      %run_scoped3A = tpu.sem_alloc : memref<!tpu.dma_semaphore, #tpu.memory_space<semaphore_mem>>
      %dma_start3A = arith.constant 0 : i32
      %dma_start3A_7 = tpu.memref_slice %arg9[%add3A, %dma_start3A] : memref<32x16xf32, #tpu.memory_space<hbm>> -> memref<1x16xf32, #tpu.memory_space<hbm>>
      %dma_start3A_8 = tpu.memref_squeeze %dma_start3A_7 : memref<1x16xf32, #tpu.memory_space<hbm>> -> memref<16xf32, #tpu.memory_space<hbm>>
      %dma_start3A_9 = arith.constant 0 : i32
      %dma_start3A_10 = tpu.memref_slice %arg9[%add3A, %dma_start3A_9] : memref<32x16xf32, #tpu.memory_space<hbm>> -> memref<1x16xf32, #tpu.memory_space<hbm>>
      %dma_start3A_11 = tpu.memref_squeeze %dma_start3A_10 : memref<1x16xf32, #tpu.memory_space<hbm>> -> memref<16xf32, #tpu.memory_space<hbm>>
      tpu.enqueue_dma source(%arg16 : memref<16xf32, #tpu.memory_space<vmem>>) target(%dma_start3A_11 : memref<16xf32, #tpu.memory_space<hbm>>) target_semaphore(%run_scoped3A : memref<!tpu.dma_semaphore, #tpu.memory_space<semaphore_mem>>)
      %dma_wait3A = arith.constant 0 : i32
      %dma_wait3A_12 = tpu.memref_slice %arg9[%add3A, %dma_wait3A] : memref<32x16xf32, #tpu.memory_space<hbm>> -> memref<1x16xf32, #tpu.memory_space<hbm>>
      %dma_wait3A_13 = tpu.memref_squeeze %dma_wait3A_12 : memref<1x16xf32, #tpu.memory_space<hbm>> -> memref<16xf32, #tpu.memory_space<hbm>>
      %dma_wait3A_14 = arith.constant 0 : i32
      %dma_wait3A_15 = tpu.memref_slice %arg9[%add3A, %dma_wait3A_14] : memref<32x16xf32, #tpu.memory_space<hbm>> -> memref<1x16xf32, #tpu.memory_space<hbm>>
      %dma_wait3A_16 = tpu.memref_squeeze %dma_wait3A_15 : memref<1x16xf32, #tpu.memory_space<hbm>> -> memref<16xf32, #tpu.memory_space<hbm>>
      tpu.wait_dma2 semaphore(%run_scoped3A : memref<!tpu.dma_semaphore, #tpu.memory_space<semaphore_mem>>) src(%arg16 : memref<16xf32, #tpu.memory_space<vmem>>) dst(%dma_wait3A_16 : memref<16xf32, #tpu.memory_space<hbm>>)
      tpu.yield
    }) : () -> ()
    return
  }
}

module attributes {stable_mosaic.version = 14 : i64} {
  func.func @_edge_proj_body(%arg0: i32, %arg1: memref<8000x16xf32, #tpu.memory_space<vmem>>, %arg2: memref<16x128xf32, #tpu.memory_space<vmem>>, %arg3: memref<16x128xf32, #tpu.memory_space<vmem>>, %arg4: memref<1x128xf32, #tpu.memory_space<vmem>>, %arg5: memref<8000x128xf32, #tpu.memory_space<vmem>>, %arg6: memref<8000x128xf32, #tpu.memory_space<vmem>>) attributes {dimension_semantics = [#tpu.dimension_semantics<arbitrary>], iteration_bounds = array<i64: 40>, scalar_prefetch = 0 : i64, scratch_operands = 0 : i64, tpu.core_type = #tpu.core_type<tc>, window_params = [{transform_indices = @transform_0, window_bounds = array<i64: 8000, 16>}, {pipeline_mode = #tpu.pipeline_mode<synchronous>, transform_indices = @transform_1, window_bounds = array<i64: 16, 128>}, {pipeline_mode = #tpu.pipeline_mode<synchronous>, transform_indices = @transform_2, window_bounds = array<i64: 16, 128>}, {pipeline_mode = #tpu.pipeline_mode<synchronous>, transform_indices = @transform_3, window_bounds = array<i64: 1, 128>}, {transform_indices = @transform_4, window_bounds = array<i64: 8000, 128>}, {transform_indices = @transform_5, window_bounds = array<i64: 8000, 128>}]} {
    %get3A = arith.constant 0 : index
    %get3A_0 = arith.constant 0 : index
    %get3A_1 = vector.load %arg1[%get3A, %get3A_0] : memref<8000x16xf32, #tpu.memory_space<vmem>>, vector<8000x16xf32>
    %get3A_2 = arith.constant 0 : index
    %get3A_3 = arith.constant 0 : index
    %get3A_4 = vector.load %arg2[%get3A_2, %get3A_3] : memref<16x128xf32, #tpu.memory_space<vmem>>, vector<16x128xf32>
    %dot_general3A = arith.constant dense<0.000000e+00> : vector<8000x128xf32>
    %dot_general3A_5 = tpu.matmul %get3A_1, %get3A_4, %dot_general3A {dimension_numbers = #tpu.dot_dimension_numbers<[1], [0], [0], [1], [0, 0, 1, 1], [], []>, transpose_lhs_hint = false} : vector<8000x16xf32>, vector<16x128xf32>, vector<8000x128xf32> -> vector<8000x128xf32>
    %get3A_6 = arith.constant 0 : index
    %get3A_7 = arith.constant 0 : index
    %get3A_8 = vector.load %arg4[%get3A_6, %get3A_7] : memref<1x128xf32, #tpu.memory_space<vmem>>, vector<1x128xf32>
    %add3A = vector.broadcast %get3A_8 : vector<1x128xf32> to vector<8000x128xf32>
    %add3A_9 = arith.addf %dot_general3A_5, %add3A : vector<8000x128xf32>
    %swap3A = arith.constant 0 : index
    %swap3A_10 = arith.constant 0 : index
    %swap3A_11 = vector.load %arg5[%swap3A, %swap3A_10] : memref<8000x128xf32, #tpu.memory_space<vmem>>, vector<8000x128xf32>
    tpu.vector_store %arg5[%swap3A, %swap3A_10], %add3A_9 {strides = array<i32>} : memref<8000x128xf32, #tpu.memory_space<vmem>>, vector<8000x128xf32>,
    %get3A_12 = arith.constant 0 : index
    %get3A_13 = arith.constant 0 : index
    %get3A_14 = vector.load %arg3[%get3A_12, %get3A_13] : memref<16x128xf32, #tpu.memory_space<vmem>>, vector<16x128xf32>
    %dot_general3A_15 = arith.constant dense<0.000000e+00> : vector<8000x128xf32>
    %dot_general3A_16 = tpu.matmul %get3A_1, %get3A_14, %dot_general3A_15 {dimension_numbers = #tpu.dot_dimension_numbers<[1], [0], [0], [1], [0, 0, 1, 1], [], []>, transpose_lhs_hint = false} : vector<8000x16xf32>, vector<16x128xf32>, vector<8000x128xf32> -> vector<8000x128xf32>
    %swap3A_17 = arith.constant 0 : index
    %swap3A_18 = arith.constant 0 : index
    %swap3A_19 = vector.load %arg6[%swap3A_17, %swap3A_18] : memref<8000x128xf32, #tpu.memory_space<vmem>>, vector<8000x128xf32>
    tpu.vector_store %arg6[%swap3A_17, %swap3A_18], %dot_general3A_16 {strides = array<i32>} : memref<8000x128xf32, #tpu.memory_space<vmem>>, vector<8000x128xf32>,
    return
  }
  func.func @transform_0(%arg0: i32) -> (i32, i32) {
    %c0_i32 = arith.constant 0 : i32
    %c0_i32_0 = arith.constant 0 : i32
    return %arg0, %c0_i32 : i32, i32
  }
  func.func @transform_1(%arg0: i32) -> (i32, i32) {
    %c0_i32 = arith.constant 0 : i32
    %c0_i32_0 = arith.constant 0 : i32
    %c0_i32_1 = arith.constant 0 : i32
    return %c0_i32, %c0_i32_0 : i32, i32
  }
  func.func @transform_2(%arg0: i32) -> (i32, i32) {
    %c0_i32 = arith.constant 0 : i32
    %c0_i32_0 = arith.constant 0 : i32
    %c0_i32_1 = arith.constant 0 : i32
    return %c0_i32, %c0_i32_0 : i32, i32
  }
  func.func @transform_3(%arg0: i32) -> (i32, i32) {
    %c0_i32 = arith.constant 0 : i32
    %c0_i32_0 = arith.constant 0 : i32
    %c0_i32_1 = arith.constant 0 : i32
    return %c0_i32, %c0_i32_0 : i32, i32
  }
  func.func @transform_4(%arg0: i32) -> (i32, i32) {
    %c0_i32 = arith.constant 0 : i32
    %c0_i32_0 = arith.constant 0 : i32
    return %arg0, %c0_i32 : i32, i32
  }
  func.func @transform_5(%arg0: i32) -> (i32, i32) {
    %c0_i32 = arith.constant 0 : i32
    %c0_i32_0 = arith.constant 0 : i32
    return %arg0, %c0_i32 : i32, i32
  }
}

module attributes {stable_mosaic.version = 14 : i64} {
  func.func @_node_proj_body(%arg0: i32, %arg1: memref<2000x128xf32, #tpu.memory_space<vmem>>, %arg2: memref<128x128xf32, #tpu.memory_space<vmem>>, %arg3: memref<128x128xf32, #tpu.memory_space<vmem>>, %arg4: memref<128x128xf32, #tpu.memory_space<vmem>>, %arg5: memref<1x128xf32, #tpu.memory_space<vmem>>, %arg6: memref<1x128xf32, #tpu.memory_space<vmem>>, %arg7: memref<1x128xf32, #tpu.memory_space<vmem>>, %arg8: memref<2000x128xf32, #tpu.memory_space<vmem>>, %arg9: memref<2000x128xf32, #tpu.memory_space<vmem>>, %arg10: memref<2000x128xf32, #tpu.memory_space<vmem>>) attributes {dimension_semantics = [#tpu.dimension_semantics<arbitrary>], iteration_bounds = array<i64: 5>, scalar_prefetch = 0 : i64, scratch_operands = 0 : i64, tpu.core_type = #tpu.core_type<tc>, window_params = [{transform_indices = @transform_0, window_bounds = array<i64: 2000, 128>}, {pipeline_mode = #tpu.pipeline_mode<synchronous>, transform_indices = @transform_1, window_bounds = array<i64: 128, 128>}, {pipeline_mode = #tpu.pipeline_mode<synchronous>, transform_indices = @transform_2, window_bounds = array<i64: 128, 128>}, {pipeline_mode = #tpu.pipeline_mode<synchronous>, transform_indices = @transform_3, window_bounds = array<i64: 128, 128>}, {pipeline_mode = #tpu.pipeline_mode<synchronous>, transform_indices = @transform_4, window_bounds = array<i64: 1, 128>}, {pipeline_mode = #tpu.pipeline_mode<synchronous>, transform_indices = @transform_5, window_bounds = array<i64: 1, 128>}, {pipeline_mode = #tpu.pipeline_mode<synchronous>, transform_indices = @transform_6, window_bounds = array<i64: 1, 128>}, {transform_indices = @transform_7, window_bounds = array<i64: 2000, 128>}, {transform_indices = @transform_8, window_bounds = array<i64: 2000, 128>}, {transform_indices = @transform_9, window_bounds = array<i64: 2000, 128>}]} {
    %get3A = arith.constant 0 : index
    %get3A_0 = arith.constant 0 : index
    %get3A_1 = vector.load %arg1[%get3A, %get3A_0] : memref<2000x128xf32, #tpu.memory_space<vmem>>, vector<2000x128xf32>
    %get3A_2 = arith.constant 0 : index
    %get3A_3 = arith.constant 0 : index
    %get3A_4 = vector.load %arg2[%get3A_2, %get3A_3] : memref<128x128xf32, #tpu.memory_space<vmem>>, vector<128x128xf32>
    %dot_general3A = arith.constant dense<0.000000e+00> : vector<2000x128xf32>
    %dot_general3A_5 = tpu.matmul %get3A_1, %get3A_4, %dot_general3A {dimension_numbers = #tpu.dot_dimension_numbers<[1], [0], [0], [1], [0, 0, 1, 1], [], []>, transpose_lhs_hint = false} : vector<2000x128xf32>, vector<128x128xf32>, vector<2000x128xf32> -> vector<2000x128xf32>
    %get3A_6 = arith.constant 0 : index
    %get3A_7 = arith.constant 0 : index
    %get3A_8 = vector.load %arg5[%get3A_6, %get3A_7] : memref<1x128xf32, #tpu.memory_space<vmem>>, vector<1x128xf32>
    %add3A = vector.broadcast %get3A_8 : vector<1x128xf32> to vector<2000x128xf32>
    %add3A_9 = arith.addf %dot_general3A_5, %add3A : vector<2000x128xf32>
    %swap3A = arith.constant 0 : index
    %swap3A_10 = arith.constant 0 : index
    %swap3A_11 = vector.load %arg8[%swap3A, %swap3A_10] : memref<2000x128xf32, #tpu.memory_space<vmem>>, vector<2000x128xf32>
    tpu.vector_store %arg8[%swap3A, %swap3A_10], %add3A_9 {strides = array<i32>} : memref<2000x128xf32, #tpu.memory_space<vmem>>, vector<2000x128xf32>,
    %get3A_12 = arith.constant 0 : index
    %get3A_13 = arith.constant 0 : index
    %get3A_14 = vector.load %arg3[%get3A_12, %get3A_13] : memref<128x128xf32, #tpu.memory_space<vmem>>, vector<128x128xf32>
    %dot_general3A_15 = arith.constant dense<0.000000e+00> : vector<2000x128xf32>
    %dot_general3A_16 = tpu.matmul %get3A_1, %get3A_14, %dot_general3A_15 {dimension_numbers = #tpu.dot_dimension_numbers<[1], [0], [0], [1], [0, 0, 1, 1], [], []>, transpose_lhs_hint = false} : vector<2000x128xf32>, vector<128x128xf32>, vector<2000x128xf32> -> vector<2000x128xf32>
    %get3A_17 = arith.constant 0 : index
    %get3A_18 = arith.constant 0 : index
    %get3A_19 = vector.load %arg6[%get3A_17, %get3A_18] : memref<1x128xf32, #tpu.memory_space<vmem>>, vector<1x128xf32>
    %add3A_20 = vector.broadcast %get3A_19 : vector<1x128xf32> to vector<2000x128xf32>
    %add3A_21 = arith.addf %dot_general3A_16, %add3A_20 : vector<2000x128xf32>
    %swap3A_22 = arith.constant 0 : index
    %swap3A_23 = arith.constant 0 : index
    %swap3A_24 = vector.load %arg9[%swap3A_22, %swap3A_23] : memref<2000x128xf32, #tpu.memory_space<vmem>>, vector<2000x128xf32>
    tpu.vector_store %arg9[%swap3A_22, %swap3A_23], %add3A_21 {strides = array<i32>} : memref<2000x128xf32, #tpu.memory_space<vmem>>, vector<2000x128xf32>,
    %get3A_25 = arith.constant 0 : index
    %get3A_26 = arith.constant 0 : index
    %get3A_27 = vector.load %arg4[%get3A_25, %get3A_26] : memref<128x128xf32, #tpu.memory_space<vmem>>, vector<128x128xf32>
    %dot_general3A_28 = arith.constant dense<0.000000e+00> : vector<2000x128xf32>
    %dot_general3A_29 = tpu.matmul %get3A_1, %get3A_27, %dot_general3A_28 {dimension_numbers = #tpu.dot_dimension_numbers<[1], [0], [0], [1], [0, 0, 1, 1], [], []>, transpose_lhs_hint = false} : vector<2000x128xf32>, vector<128x128xf32>, vector<2000x128xf32> -> vector<2000x128xf32>
    %get3A_30 = arith.constant 0 : index
    %get3A_31 = arith.constant 0 : index
    %get3A_32 = vector.load %arg7[%get3A_30, %get3A_31] : memref<1x128xf32, #tpu.memory_space<vmem>>, vector<1x128xf32>
    %add3A_33 = vector.broadcast %get3A_32 : vector<1x128xf32> to vector<2000x128xf32>
    %add3A_34 = arith.addf %dot_general3A_29, %add3A_33 : vector<2000x128xf32>
    %swap3A_35 = arith.constant 0 : index
    %swap3A_36 = arith.constant 0 : index
    %swap3A_37 = vector.load %arg10[%swap3A_35, %swap3A_36] : memref<2000x128xf32, #tpu.memory_space<vmem>>, vector<2000x128xf32>
    tpu.vector_store %arg10[%swap3A_35, %swap3A_36], %add3A_34 {strides = array<i32>} : memref<2000x128xf32, #tpu.memory_space<vmem>>, vector<2000x128xf32>,
    return
  }
  func.func @transform_0(%arg0: i32) -> (i32, i32) {
    %c0_i32 = arith.constant 0 : i32
    %c0_i32_0 = arith.constant 0 : i32
    return %arg0, %c0_i32 : i32, i32
  }
  func.func @transform_1(%arg0: i32) -> (i32, i32) {
    %c0_i32 = arith.constant 0 : i32
    %c0_i32_0 = arith.constant 0 : i32
    %c0_i32_1 = arith.constant 0 : i32
    return %c0_i32, %c0_i32_0 : i32, i32
  }
  func.func @transform_2(%arg0: i32) -> (i32, i32) {
    %c0_i32 = arith.constant 0 : i32
    %c0_i32_0 = arith.constant 0 : i32
    %c0_i32_1 = arith.constant 0 : i32
    return %c0_i32, %c0_i32_0 : i32, i32
  }
  func.func @transform_3(%arg0: i32) -> (i32, i32) {
    %c0_i32 = arith.constant 0 : i32
    %c0_i32_0 = arith.constant 0 : i32
    %c0_i32_1 = arith.constant 0 : i32
    return %c0_i32, %c0_i32_0 : i32, i32
  }
  func.func @transform_4(%arg0: i32) -> (i32, i32) {
    %c0_i32 = arith.constant 0 : i32
    %c0_i32_0 = arith.constant 0 : i32
    %c0_i32_1 = arith.constant 0 : i32
    return %c0_i32, %c0_i32_0 : i32, i32
  }
  func.func @transform_5(%arg0: i32) -> (i32, i32) {
    %c0_i32 = arith.constant 0 : i32
    %c0_i32_0 = arith.constant 0 : i32
    %c0_i32_1 = arith.constant 0 : i32
    return %c0_i32, %c0_i32_0 : i32, i32
  }
  func.func @transform_6(%arg0: i32) -> (i32, i32) {
    %c0_i32 = arith.constant 0 : i32
    %c0_i32_0 = arith.constant 0 : i32
    %c0_i32_1 = arith.constant 0 : i32
    return %c0_i32, %c0_i32_0 : i32, i32
  }
  func.func @transform_7(%arg0: i32) -> (i32, i32) {
    %c0_i32 = arith.constant 0 : i32
    %c0_i32_0 = arith.constant 0 : i32
    return %arg0, %c0_i32 : i32, i32
  }
  func.func @transform_8(%arg0: i32) -> (i32, i32) {
    %c0_i32 = arith.constant 0 : i32
    %c0_i32_0 = arith.constant 0 : i32
    return %arg0, %c0_i32 : i32, i32
  }
  func.func @transform_9(%arg0: i32) -> (i32, i32) {
    %c0_i32 = arith.constant 0 : i32
    %c0_i32_0 = arith.constant 0 : i32
    return %arg0, %c0_i32 : i32, i32
  }
}

module attributes {stable_mosaic.version = 14 : i64} {
  func.func @_out_proj_body(%arg0: i32, %arg1: memref<2000x128xf32, #tpu.memory_space<vmem>>, %arg2: memref<2000x128xf32, #tpu.memory_space<vmem>>, %arg3: memref<2000x16xf32, #tpu.memory_space<vmem>>, %arg4: memref<2000x16xf32, #tpu.memory_space<vmem>>, %arg5: memref<128x128xf32, #tpu.memory_space<vmem>>, %arg6: memref<1x128xf32, #tpu.memory_space<vmem>>, %arg7: memref<2000x128xf32, #tpu.memory_space<vmem>>) attributes {dimension_semantics = [#tpu.dimension_semantics<arbitrary>], iteration_bounds = array<i64: 5>, scalar_prefetch = 0 : i64, scratch_operands = 0 : i64, tpu.core_type = #tpu.core_type<tc>, window_params = [{transform_indices = @transform_0, window_bounds = array<i64: 2000, 128>}, {transform_indices = @transform_1, window_bounds = array<i64: 2000, 128>}, {transform_indices = @transform_2, window_bounds = array<i64: 2000, 16>}, {transform_indices = @transform_3, window_bounds = array<i64: 2000, 16>}, {pipeline_mode = #tpu.pipeline_mode<synchronous>, transform_indices = @transform_4, window_bounds = array<i64: 128, 128>}, {pipeline_mode = #tpu.pipeline_mode<synchronous>, transform_indices = @transform_5, window_bounds = array<i64: 1, 128>}, {transform_indices = @transform_6, window_bounds = array<i64: 2000, 128>}]} {
    %get3A = arith.constant 0 : index
    %get3A_0 = arith.constant 0 : index
    %get3A_1 = vector.load %arg1[%get3A, %get3A_0] : memref<2000x128xf32, #tpu.memory_space<vmem>>, vector<2000x128xf32>
    %get3A_2 = arith.constant 0 : index
    %get3A_3 = arith.constant 0 : index
    %get3A_4 = vector.load %arg2[%get3A_2, %get3A_3] : memref<2000x128xf32, #tpu.memory_space<vmem>>, vector<2000x128xf32>
    %add3A = arith.addf %get3A_1, %get3A_4 : vector<2000x128xf32>
    %get3A_5 = arith.constant 0 : index
    %get3A_6 = arith.constant 0 : index
    %get3A_7 = vector.load %arg3[%get3A_5, %get3A_6] : memref<2000x16xf32, #tpu.memory_space<vmem>>, vector<2000x16xf32>
    %get3A_8 = arith.constant 0 : index
    %get3A_9 = arith.constant 0 : index
    %get3A_10 = vector.load %arg4[%get3A_8, %get3A_9] : memref<2000x16xf32, #tpu.memory_space<vmem>>, vector<2000x16xf32>
    %add3A_11 = arith.addf %get3A_7, %get3A_10 : vector<2000x16xf32>
    %slice3A = vector.extract_strided_slice %add3A_11 {offsets = [0, 0], sizes = [2000, 8], strides = [1, 1]} : vector<2000x16xf32> to vector<2000x8xf32>
    %add3A_12 = arith.constant 1.000000e-16 : f32
    %add3A_13 = vector.broadcast %add3A_12 : f32 to vector<2000x8xf32>
    %add3A_14 = arith.addf %slice3A, %add3A_13 : vector<2000x8xf32>
    %iota3A = tpu.iota {dimensions = array<i32: 0>} : vector<8x8xi32>
    %iota3A_15 = tpu.iota {dimensions = array<i32: 1>} : vector<8x8xi32>
    %add3A_16 = arith.constant 0 : i32
    %add3A_17 = vector.broadcast %add3A_16 : i32 to vector<8x8xi32>
    %add3A_18 = arith.addi %iota3A, %add3A_17 : vector<8x8xi32>
    %eq3A = arith.cmpi eq, %add3A_18, %iota3A_15 : vector<8x8xi32>
    %convert_element_type3A = arith.extui %eq3A : vector<8x8xi1> to vector<8x8xi32>
    %convert_element_type3A_19 = arith.sitofp %convert_element_type3A : vector<8x8xi32> to vector<8x8xf32>
    %broadcast_in_dim3A = vector.shape_cast %convert_element_type3A_19 : vector<8x8xf32> to vector<8x8x1xf32>
    %broadcast_in_dim3A_20 = vector.broadcast %broadcast_in_dim3A : vector<8x8x1xf32> to vector<8x8x16xf32>
    %reshape3A = vector.shape_cast %broadcast_in_dim3A_20 : vector<8x8x16xf32> to vector<8x128xf32>
    %dot_general3A = arith.constant dense<0.000000e+00> : vector<2000x128xf32>
    %dot_general3A_21 = tpu.matmul %add3A_14, %reshape3A, %dot_general3A {dimension_numbers = #tpu.dot_dimension_numbers<[1], [0], [0], [1], [0, 0, 1, 1], [], []>, transpose_lhs_hint = false} : vector<2000x8xf32>, vector<8x128xf32>, vector<2000x128xf32> -> vector<2000x128xf32>
    %div3A = arith.divf %add3A, %dot_general3A_21 : vector<2000x128xf32>
    %get3A_22 = arith.constant 0 : index
    %get3A_23 = arith.constant 0 : index
    %get3A_24 = vector.load %arg5[%get3A_22, %get3A_23] : memref<128x128xf32, #tpu.memory_space<vmem>>, vector<128x128xf32>
    %dot_general3A_25 = arith.constant dense<0.000000e+00> : vector<2000x128xf32>
    %dot_general3A_26 = tpu.matmul %div3A, %get3A_24, %dot_general3A_25 {dimension_numbers = #tpu.dot_dimension_numbers<[1], [0], [0], [1], [0, 0, 1, 1], [], []>, transpose_lhs_hint = false} : vector<2000x128xf32>, vector<128x128xf32>, vector<2000x128xf32> -> vector<2000x128xf32>
    %get3A_27 = arith.constant 0 : index
    %get3A_28 = arith.constant 0 : index
    %get3A_29 = vector.load %arg6[%get3A_27, %get3A_28] : memref<1x128xf32, #tpu.memory_space<vmem>>, vector<1x128xf32>
    %add3A_30 = vector.broadcast %get3A_29 : vector<1x128xf32> to vector<2000x128xf32>
    %add3A_31 = arith.addf %dot_general3A_26, %add3A_30 : vector<2000x128xf32>
    %swap3A = arith.constant 0 : index
    %swap3A_32 = arith.constant 0 : index
    %swap3A_33 = vector.load %arg7[%swap3A, %swap3A_32] : memref<2000x128xf32, #tpu.memory_space<vmem>>, vector<2000x128xf32>
    tpu.vector_store %arg7[%swap3A, %swap3A_32], %add3A_31 {strides = array<i32>} : memref<2000x128xf32, #tpu.memory_space<vmem>>, vector<2000x128xf32>,
    return
  }
  func.func @transform_0(%arg0: i32) -> (i32, i32) {
    %c0_i32 = arith.constant 0 : i32
    %c0_i32_0 = arith.constant 0 : i32
    return %arg0, %c0_i32 : i32, i32
  }
  func.func @transform_1(%arg0: i32) -> (i32, i32) {
    %c0_i32 = arith.constant 0 : i32
    %c0_i32_0 = arith.constant 0 : i32
    return %arg0, %c0_i32 : i32, i32
  }
  func.func @transform_2(%arg0: i32) -> (i32, i32) {
    %c0_i32 = arith.constant 0 : i32
    %c0_i32_0 = arith.constant 0 : i32
    return %arg0, %c0_i32 : i32, i32
  }
  func.func @transform_3(%arg0: i32) -> (i32, i32) {
    %c0_i32 = arith.constant 0 : i32
    %c0_i32_0 = arith.constant 0 : i32
    return %arg0, %c0_i32 : i32, i32
  }
  func.func @transform_4(%arg0: i32) -> (i32, i32) {
    %c0_i32 = arith.constant 0 : i32
    %c0_i32_0 = arith.constant 0 : i32
    %c0_i32_1 = arith.constant 0 : i32
    return %c0_i32, %c0_i32_0 : i32, i32
  }
  func.func @transform_5(%arg0: i32) -> (i32, i32) {
    %c0_i32 = arith.constant 0 : i32
    %c0_i32_0 = arith.constant 0 : i32
    %c0_i32_1 = arith.constant 0 : i32
    return %c0_i32, %c0_i32_0 : i32, i32
  }
  func.func @transform_6(%arg0: i32) -> (i32, i32) {
    %c0_i32 = arith.constant 0 : i32
    %c0_i32_0 = arith.constant 0 : i32
    return %arg0, %c0_i32 : i32, i32
  }
}

</mosaic_0001>

<sc_bundles>
// kernel: kernel.6.cloned.1.call-start
scs
__scs_entry_jumppad:
0x0: {  	(pc) =	sbr.rel $0x88, $3  }
0x1: {  	(tag) =	ssettag $0x0;
	lr =	simm.s32 $0x1  }
0x2: {  	[smem:$0x3F93] =	sst lr;
	_ =	strace $0xD0000000  }
0x3: {  	_ = 	snop  }
0x4: {  	_ = 	snop  }
0x5: {  	_ = 	snop  }
0x6: {  	_ = 	snop  }
0x7: {  	_ = 	snop  }
__scs_overlays_trampoline_lowered:
0x8: {  	[smem:$0x3FA2] =	sst s0  }
0x9: {  	[smem:$0x3FA3] =	sst s1  }
0xa: {  	[smem:$0x3FA4] =	sst s2  }
0xb: {  	[smem:$0x3FA5] =	sst s3  }
0xc: {  	[smem:$0x3FA6] =	sst s4  }
0xd: {  	[smem:$0x3FA7] =	sst s5  }
0xe: {  	[smem:$0x3FA8] =	sst s6  }
0xf: {  	[smem:$0x3FA9] =	sst s7  }
0x10: {  	[smem:$0x3FAA] =	sst s8  }
0x11: {  	[smem:$0x3FAB] =	sst s9;
	s0 =	simm.s32 @!p0 $0x0  }
0x12: {  	s1 =	sld [smem:$0x3F91];
	s0 =	simm.s32 @p0 $0x1  }
0x13: {  	[smem:$0x3FAC] =	sst s0;
	s0 =	simm.s32 @!p1 $0x0  }
0x14: {  	s2 =	sld [smem:$0x3F90];
	s0 =	simm.s32 @p1 $0x1  }
0x15: {  	[smem:$0x3FAD] =	sst s0;
	s0 =	simm.s32 @!p2 $0x0  }
0x16: {  	s3 =	sld [smem:$0x3FDB];
	s0 =	simm.s32 @p2 $0x1  }
0x17: {  	s4 =	simm.s32 $0x1BF5;
	[smem:$0x3FAF] =	sst s0  }
0x18: {  	s0 =	sld [smem:$0x3F92];
	_ =	swait.ge [sflag:s4], $0x0  }
0x19: {  	s7 =	sld [smem:$0x3F93]  }
0x1a: {  	s8 =	sadd.s32 $0xFFFFE003, lr  }
0x1b: {  	s9 =	sadd.s32 $0xFFFFFEF7, lr;
	s5 =	simm.s32 $0xFFFFFFFF;
	p2 =	slt.u32 s8, $0xFFFFF086  }
0x1c: {  	p1 =	slt.u32 s9, $0xF7A;
	s5 =	simm.s32 @!p2 $0x0  }
0x1d: {  	s5 =	simm.s32 @p1 $0x1;
	p0 =	seq.s32 s7, s2  }
0x1e: {  	s7 =	smul.u32 @!p0 $0xF7A, s2;
	p2 =	seq.s32 @!p0 s5, $0x0  }
0x1f: {  	s9 =	smul.u32 $0xF7A, s1;
	s8 =	simm.s32 @!p0 $0x1BF5;
	p2 =	por !p2, p0  }
0x20: {  	[sflag:s8] =	ssyncset.s32 @!p0 $0xFFFFF086;
	s6 =	sadd.s32 @!p0 s3, s7;
	s7 =	simm.s32 @!p0 $0x108  }
0x21: {  	s3 =	sadd.s32 s3, s9;
	s6 =	sadd.s32 @!p0 $0x88, s6;
	s7 =	simm.s32 @p2 $0x1082  }
0x22: {  	[simem:s7], [sflag:s8] =	dma.local @!p0 [hbm:s6], $0xF7A  }
0x23: {  	s9 =	sor.u32 $0xD0000000, s2;
	s6 =	simm.s32 $0x108;
	_ =	swait.ge @!p0 [sflag:s8], $0x0  }
0x24: {  	s3 =	sadd.s32 $0x88, s3;
	s6 =	simm.s32 @!p1 $0x1082;
	[sflag:s4] =	ssyncset.s32 $0xFFFFF086  }
0x25: {  	[simem:s6], [sflag:s4] =	dma.local [hbm:s3], $0xF7A  }
0x26: {  	[smem:$0x3F93] =	sst s1;
	(tag) =	ssettag s2;
	_ =	strace s9  }
0x27: {  	s1 =	sld [smem:$0x3FA3]  }
0x28: {  	s2 =	sld [smem:$0x3FA4]  }
0x29: {  	s4 =	sld [smem:$0x3FA6]  }
0x2a: {  	p0 =	seq.s32 s5, $0x0;
	s5 =	sld [smem:$0x3FA7]  }
0x2b: {  	s6 =	sld [smem:$0x3FA8]  }
0x2c: {  	s7 =	sld [smem:$0x3FA9]  }
0x2d: {  	s3 =	simm.s32 $0x108;
	s8 =	sld [smem:$0x3FAA]  }
0x2e: {  	s3 =	simm.s32 @!p0 $0x1082;
	s9 =	sld [smem:$0x3FAB]  }
0x2f: {  	lr =	sadd.s32 s0, s3;
	s0 =	sld [smem:$0x3FA2]  }
0x30: {  	s3 =	sld [smem:$0x3FA5]  }
0x31: {  	[smem:$0x3FAE] =	sst s10  }
0x32: {  	s10 =	sld [smem:$0x3FAC];
	_ =	sdelay $0x3  }
0x33: {  	p0 =	seq.s32 s10, $0x1;
	s10 =	sld [smem:$0x3FAE];
	_ =	sdelay $0x3  }
0x34: {  	[smem:$0x3FAE] =	sst s10  }
0x35: {  	s10 =	sld [smem:$0x3FAD];
	_ =	sdelay $0x3  }
0x36: {  	p1 =	seq.s32 s10, $0x1;
	s10 =	sld [smem:$0x3FAE];
	_ =	sdelay $0x3  }
0x37: {  	[smem:$0x3FAE] =	sst s10  }
0x38: {  	s10 =	sld [smem:$0x3FAF]  }
0x39: {  	_ = 	snop;
	(pc) =	sbr.ind lr, $3  }
0x3a: {  	_ = 	snop  }
0x3b: {  	_ = 	snop  }
0x3c: {  	p2 =	seq.s32 s10, $0x1;
	s10 =	sld [smem:$0x3FAE]  }
0x3d: {  	_ =	shalt  }
0x3e: {  	_ =	shalt  }
0x3f: {  	_ =	shalt  }
0x40: {  	_ =	shalt  }
0x41: {  	_ =	shalt  }
0x42: {  	_ =	shalt  }
0x43: {  	_ =	shalt  }
0x44: {  	_ =	shalt  }
0x45: {  	_ =	shalt  }
0x46: {  	_ =	shalt  }
0x47: {  	_ =	shalt  }
0x48: {  	_ =	shalt  }
0x49: {  	_ =	shalt  }
0x4a: {  	_ =	shalt  }
0x4b: {  	_ =	shalt  }
0x4c: {  	_ =	shalt  }
0x4d: {  	_ =	shalt  }
0x4e: {  	_ =	shalt  }
0x4f: {  	_ =	shalt  }
0x50: {  	_ =	shalt  }
0x51: {  	_ =	shalt  }
0x52: {  	_ =	shalt  }
0x53: {  	_ =	shalt  }
0x54: {  	_ =	shalt  }
0x55: {  	_ =	shalt  }
0x56: {  	_ =	shalt  }
0x57: {  	_ =	shalt  }
0x58: {  	_ =	shalt  }
0x59: {  	_ =	shalt  }
0x5a: {  	_ =	shalt  }
0x5b: {  	_ =	shalt  }
0x5c: {  	_ =	shalt  }
0x5d: {  	_ =	shalt  }
0x5e: {  	_ =	shalt  }
0x5f: {  	_ =	shalt  }
0x60: {  	_ =	shalt  }
0x61: {  	_ =	shalt  }
0x62: {  	_ =	shalt  }
0x63: {  	_ =	shalt  }
0x64: {  	_ =	shalt  }
0x65: {  	_ =	shalt  }
0x66: {  	_ =	shalt  }
0x67: {  	_ =	shalt  }
0x68: {  	_ =	shalt  }
0x69: {  	_ =	shalt  }
0x6a: {  	_ =	shalt  }
0x6b: {  	_ =	shalt  }
0x6c: {  	_ =	shalt  }
0x6d: {  	_ =	shalt  }
0x6e: {  	_ =	shalt  }
0x6f: {  	_ =	shalt  }
0x70: {  	_ =	shalt  }
0x71: {  	_ =	shalt  }
0x72: {  	_ =	shalt  }
0x73: {  	_ =	shalt  }
0x74: {  	_ =	shalt  }
0x75: {  	_ =	shalt  }
0x76: {  	_ =	shalt  }
0x77: {  	_ =	shalt  }
0x78: {  	_ =	shalt  }
0x79: {  	_ =	shalt  }
0x7a: {  	_ =	shalt  }
0x7b: {  	_ =	shalt  }
0x7c: {  	_ =	shalt  }
0x7d: {  	_ =	shalt  }
0x7e: {  	_ =	shalt  }
0x7f: {  	_ =	shalt  }
0x80: {  	_ =	shalt  }
0x81: {  	_ =	shalt  }
0x82: {  	_ =	shalt  }
0x83: {  	_ =	shalt  }
0x84: {  	_ =	shalt  }
0x85: {  	_ =	shalt  }
0x86: {  	_ =	shalt  }
0x87: {  	_ =	shalt  }
.Lfunc_end0:
.L_simem_size_0:
called_computation.3_lowered:
.L_overlay_start_0:
0x88: {  	s2 =	sld [smem:$0x3FD9]  }
0x89: {  	s3 =	sld [smem:$0x3FFE];
	_ =	sdelay $0x1  }
0x8a: {  	s1 =	srdreg.scid  }
0x8b: {  	s0 =	sand.u32 $0x1, s1  }
0x8c: {  	s17 =	sshll.u32 s0, $0xA;
	s2 =	sadd.s32 s3, s2  }
0x8d: {  	s2 =	sadd.s32 s2, s17  }
0x8e: {  	[smem:$0x3FBA] =	sst s2  }
0x8f: {  	_ = 	snop  }
0x90: {  	s2 =	sld [smem:$0x3FC0]  }
0x91: {  	s18 =	sld [smem:$0x3FD0];
	(tm) =	ssettm $0x1  }
0x92: {  	s4 =	sld [smem:$0x3FFB];
	_ =	sdelay $0x3  }
0x93: {  	_ =	strace s4  }
0x94: {  	s4 =	sld [smem:$0x3FFC];
	_ =	sdelay $0x3  }
0x95: {  	_ =	strace s4  }
0x96: {  	s4 =	sld [smem:$0x3FFD];
	_ =	sdelay $0x3  }
0x97: {  	_ =	strace s4  }
0x98: {  	_ =	strace $0x8FFFFFFF  }
0x99: {  	s19 =	sld [smem:$0x3FDB];
	_ =	sdelay $0x1  }
0x9a: {  	s5 =	simm.s32 $_scs_section_size  }
0x9b: {  	s6 =	simm.s32 $_size__tile_overlayer_lowered;
	s7 =	simm.s32 $_tile_overlayer_lowered  }
0x9c: {  	s22 =	simm.s32 $0x1BFF;
	s21 =	sshll.u32 s7, $0x1;
	s4 =	sadd.s32 s5, s19  }
0x9d: {  	s8 =	simm.s32 $0x0;
	s20 =	sshll.u32 s6, $0x1;
	s6 =	sadd.s32 s21, s4  }
0x9e: {  	[timem:s8], [sflag:s22] =	dma.local [hbm:s6], s20  }
0x9f: {  	_ =	swait.ge [sflag:s22], s20  }
0xa0: {  	s5 =	ssub.s32 $0x0, s20;
	[sflag:s22] =	ssyncset.done $0x0  }
0xa1: {  	[sflag:s22] =	ssyncadd.s32 s5;
	_ =	sdelay $0x1  }
0xa2: {  	s23 =	simm.s32 $0x1B8B  }
0xa3: {  	_ =	swait.ge [sflag:s23], $0x1  }
0xa4: {  	[sflag:s23] =	ssyncset.done $0x0  }
0xa5: {  	s25 =	simm.s32 $0x1B8E;
	s24 =	sld [smem:$0x3FFE];
	[sflag:s23] =	ssyncadd.s32 $0xFFFFFFFF  }
0xa6: {  	s26 =	simm.s32 $execute0_lowered;
	[smem:$0x3FD2] =	sst s25  }
0xa7: {  	s6 =	sshll.u32 s26, $0x1;
	_ =	strace $0x80000046;
	[dreg:$0x1] =	wrdreg $0xFFFFFFFF  }
0xa8: {  	s28 =	simm.s32 $_size_execute0_lowered;
	s4 =	sadd.s32 s4, s6;
	[dreg:$0x0] =	wrdreg $0x0  }
0xa9: {  	s6 =	sshll.u32 s28, $0x1;
	[dreg:$0x2] =	wrdreg s4  }
0xaa: {  	[dreg:$0x3] =	wrdreg s6  }
0xab: {  	[dreg:$0x4] =	wrdreg $0xC0  }
0xac: {  	_ =	task [dreg:s8], $0x5FFFF  }
0xad: {  	[dreg:$0x1] =	wrdreg $0xFFFFFFFF  }
0xae: {  	[dreg:$0x0] =	wrdreg $0x60  }
0xaf: {  	[dreg:$0x2] =	wrdreg s18  }
0xb0: {  	[dreg:$0x3] =	wrdreg s24  }
0xb1: {  	[dreg:$0x4] =	wrdreg s2  }
0xb2: {  	[dreg:$0x5] =	wrdreg $0xA  }
0xb3: {  	_ =	task.clear_ibuf [dreg:s8], $0x6FFFF;
	_ =	strace $0x90000046  }
0xb4: {  	s29 =	simm.s32 $0xA;
	_ =	strace $0x80000048  }
0xb5: {  	_ =	swait.ge [sflag:s29], $0x1  }
0xb6: {  	[sflag:s29] =	ssyncadd.s32 $0xFFFFFFFF  }
0xb7: {  	_ =	strace $0x90000048  }
0xb8: {  	_ =	sfence  }
0xb9: {  	s30 =	sld [smem:$0x0];
	_ =	sdelay $0x2  }
0xba: {  	s31 =	sshll.u32 s1, $0xD;
	s1 =	sshrl.u32 s1, $0x2  }
0xbb: {  	s3 =	sand.u32 $0x4000, s31;
	s1 =	sadd.s32 s1, s30  }
0xbc: {  	s0 =	sor.u32 s3, s0;
	s1 =	sshll.u32 s1, $0x11  }
0xbd: {  	s0 =	sor.u32 s1, s0  }
0xbe: {  	s0 =	sadd.s32 $0x8F2B, s0  }
0xbf: {  	[sflag:s0] =	ssyncadd.remote.s32 $0x1  }
0xc0: {  	_ =	sfence.sel $0xFFFF  }
0xc1: {  	[dreg:$0x0] =	wrdreg $0xFFFFFFFF;
	(pc) =	sbr.abs _section_cstart, $3  }
0xc2: {  	[dreg:$0x1] =	wrdreg $0xFFFFFFFF  }
0xc3: {  	_ =	task.clear_ibuf [dreg:s8], $0x2FFFF;
	_ =	strace $0x9FFFFFFF  }
0xc4: {  	(tm) =	ssettm $0x7FFFFFFF  }
0xc5: {  	_ =	shalt  }
tec
execute0_lowered:
.L_overlay_start_1:
0x0: {  	(tag) =	ssettag $0x1  }
0x1: {  	s1 =	rddreg [dreg:$0x0]  }
0x2: {  	s10 =	rddreg [dreg:$0x1]  }
0x3: {  	s2 =	rddreg [dreg:$0x2]  }
0x4: {  	s0 =	rddreg [dreg:$0x3]  }
0x5: {  	s3 =	simm.s32 $0x0;
	s7 =	srdreg.scid;
	s4 =	stileid.u32  }
0x6: {  	s15 =	simm.s32 $0x80;
	s16 =	simm.s32 $0x50;
	s17 =	simm.s32 $0x100  }
0x7: {  	s18 =	simm.s32 $0x2900;
	s19 =	simm.s32 $0x5100;
	s20 =	simm.s32 $0x1  }
0x8: {  	s21 =	simm.s32 $0x2;
	s22 =	simm.s32 $0x7900;
	s23 =	simm.s32 $0xA100  }
0x9: {  	s24 =	simm.s32 $0x0;
	[smem:$0x7FF] =	sst s3;
	s5 =	sadd.s32 $0x14A00, s10  }
0xa: {  	s6 =	sadd.s32 $0x9D8A00, s10;
	s8 =	sand.u32 $0x1, s7;
	s9 =	sshll.u32 s4, $0x1  }
0xb: {  	s7 =	sadd.s32 $0xAC00, s10;
	_ =	strace $0x80000047;
	s11 =	sor.u32 s8, s9  }
0xc: {  	s12 =	ssub.s32 $0x2, s8;
	s8 =	sadd.s32 $0xE00, s10;
	s13 =	sshll.u32 s11, $0x4  }
0xd: {  	v0 =	vimm.f32 $-1.000000020e+30;
	vm0 =	vmmov $0x1;
	vm1 =	vcmask $0x320;
	s9 =	sadd.s32 $0xEBAA00, s10;
	s14 =	sshrl.u32 s12, $0x1;
	s13 =	sadd.s32 s13, s10  }
0xe: {  	vm2 =	vcmask $0x720;
	vm3 =	vcmask $0xB20;
	vm4 =	vcmask $0xF20;
	s12 =	ssub.s32 s12, s14;
	s10 =	smul.u32 $0x2710, s11;
	s14 =	simm.s32 $0x3  }
0xf: {  	vm5 =	vcmask $0x1320;
	vm6 =	vcmask $0x1720;
	vm7 =	vcmask $0x1B20;
	s11 =	sadd.s32 $0x3BC00, s13;
	s12 =	smax.u32 s12, $0x1;
	s13 =	simm.s32 $0xA180  }
.LBB2_1:
0x10: {  	[tilespmem:s13], [sflag:$0x3] =	stream.linear.gather [hbm4b:s2+s3], $0x400, $0x38;
	[tilespmem:$0xA580] =	vst v63  }
0x11: {  	_ =	swait.ge [sflag:s14], $0x400  }
0x12: {  	[sflag:s14] =	ssyncset.done $0x0  }
0x13: {  	[sflag:s14] =	ssyncadd.s32 $0xFFFFFC00  }
0x14: {  	s25 =	simm.s32 $0x0;
	[tilespmem:$0xA100] =	vst v0  }
.LBB2_2:
0x15: {  	s26 =	smul.u32 $0x50, s25;
	_ =	sdelay $0x1  }
0x16: {  	s26 =	sadd.s32 s10, s26  }
0x17: {  	s28 =	sshrl.u32 s26, $0x3  }
0x18: {  	s30 =	simm.s32 $0x0;
	s29 =	sadd.s32 s7, s28  }
0x19: {  	[tilespmem:s30], [sflag:$0x3] =	stream.linear.gather [hbm4b:s29+s30], $0x50, $0x38;
	[tilespmem:$0xA580] =	vst v63  }
0x1a: {  	_ =	swait.ge [sflag:s14], $0x50  }
0x1b: {  	[sflag:s14] =	ssyncset.done $0x0  }
0x1c: {  	s28 =	sadd.s32 s8, s28;
	[sflag:s14] =	ssyncadd.s32 $0xFFFFFFB0  }
0x1d: {  	[tilespmem:s15], [sflag:$0x3] =	stream.linear.gather [hbm4b:s28+s30], $0x50, $0x38;
	[tilespmem:$0xA580] =	vst v63  }
0x1e: {  	_ =	swait.ge [sflag:s14], $0x50  }
0x1f: {  	[sflag:s14] =	ssyncset.done $0x0  }
0x20: {  	[sflag:s14] =	ssyncadd.s32 $0xFFFFFFB0  }
0x21: {  	[tilespmem:s17], [sflag:$0x1] =	stream.indirect.gather [hbm4b:s1+s16], $0x80, s30, s16, $0xb8;
	[tilespmem:$0xA580] =	vst v63  }
0x22: {  	s26 =	sshll.u32 s26, $0x4  }
0x23: {  	[tilespmem:s18], [sflag:$0x2] =	stream.indirect.gather [hbm4b:s5+s16], $0x80, s15, s16, $0xb8;
	[tilespmem:$0xA580] =	vst v63  }
0x24: {  	s28 =	sadd.s32 s6, s26  }
0x25: {  	[tilespmem:s19], [sflag:$0x3] =	stream.linear.gather [hbm4b:s28+s30], $0x2800, $0x38;
	[tilespmem:$0xA580] =	vst v63  }
0x26: {  	_ =	swait.ge [sflag:s14], $0x2800  }
0x27: {  	[sflag:s14] =	ssyncset.done $0x0  }
0x28: {  	[sflag:s14] =	ssyncadd.s32 $0xFFFFD800  }
0x29: {  	_ =	swait.ge [sflag:s20], $0x2800  }
0x2a: {  	[sflag:s20] =	ssyncset.done $0x0  }
0x2b: {  	[sflag:s20] =	ssyncadd.s32 $0xFFFFD800  }
0x2c: {  	_ =	swait.ge [sflag:s21], $0x2800  }
0x2d: {  	[sflag:s21] =	ssyncset.done $0x0  }
0x2e: {  	[sflag:s21] =	ssyncadd.s32 $0xFFFFD800  }
0x2f: {  	s28 =	simm.s32 $0x0;
	v1 =	vld [tilespmem:$0xA100]  }
0x30: {  	v6 =	vld [tilespmem:s28+$0x5170]  }
0x31: {  	v7 =	vld [tilespmem:s28+$0x5150]  }
0x32: {  	v3 =	vld [tilespmem:s28+$0x170]  }
0x33: {  	v8 =	vld [tilespmem:s28+$0x2970]  }
0x34: {  	v9 =	vld [tilespmem:s28+$0x5140]  }
0x35: {  	v2 =	vld [tilespmem:s28+$0x160]  }
0x36: {  	v10 =	vld [tilespmem:s28+$0x150]  }
0x37: {  	v11 =	vld [tilespmem:s28+$0x2950]  }
0x38: {  	v5 =	vld [tilespmem:s28+$0x5120]  }
0x39: {  	v12 =	vld [tilespmem:s28+$0x140]  }
0x3a: {  	v13 =	vld [tilespmem:s28+$0x2940]  }
0x3b: {  	v4 =	vld [tilespmem:s28+$0x5110];
	v8 =	vadd.f32 v8, v3  }
0x3c: {  	v14 =	vld [tilespmem:$0xA500]  }
0x3d: {  	v15 =	vld [tilespmem:s28+$0x120];
	v6 =	vadd.f32 v6, v8  }
0x3e: {  	v16 =	vld [tilespmem:s28+$0x2920];
	v8 =	vadd.f32 v11, v10  }
0x3f: {  	v3 =	vld [tilespmem:s28+$0x130];
	v10 =	vmul.f32 $2.000000030e-01, v6  }
0x40: {  	v17 =	vadd.f32 v7, v8;
	v7 =	vld [tilespmem:$0xA400]  }
0x41: {  	v11 =	vld [tilespmem:s28+$0x2910];
	v6 =	vmax.f32 v6, v10;
	v10 =	vadd.f32 v13, v12  }
0x42: {  	v8 =	vld [tilespmem:s28+$0x110];
	v12 =	vmul.f32 $2.000000030e-01, v17;
	v14 =	vmul.f32 v6, v14  }
0x43: {  	v6 =	vld [tilespmem:$0xA380];
	v9 =	vadd.f32 v9, v10  }
0x44: {  	s29 =	simm.s32 $0x200;
	v13 =	vadd.f32 v16, v15;
	v10 =	vld [tilespmem:s28+$0x100];
	v12 =	vmax.f32 v17, v12;
	(xrf2) =	vadd.scan.msk.f32 $0xffff, v14  }
.LBB2_3:
0x45: {  	p0 =	sne.s32 s29, $0x9E00;
	v14 =	vld [tilespmem:s28+$0x2900];
	v15 =	vmul.f32 $2.000000030e-01, v9;
	v7 =	vmul.f32 v12, v7  }
0x46: {  	v5 =	vadd.f32 v5, v13;
	v12 =	vld [tilespmem:$0xA280]  }
0x47: {  	v13 =	vld [tilespmem:s28+$0x5100];
	v8 =	vadd.f32 v11, v8;
	v9 =	vmax.f32 v9, v15;
	(xrf2) =	vadd.scan.msk.f32 $0xffff, v7  }
0x48: {  	v7 =	vmul.f32 $2.000000030e-01, v5;
	v11 =	vld [tilespmem:s28+$0x2930];
	v6 =	vmul.f32 v9, v6  }
0x49: {  	v4 =	vadd.f32 v4, v8;
	v8 =	vld [tilespmem:$0xA200]  }
0x4a: {  	v9 =	vadd.f32 v14, v10;
	v5 =	vmax.f32 v5, v7;
	v7 =	vld [tilespmem:s28+$0x5130];
	(xrf2) =	vadd.scan.msk.f32 $0xffff, v6  }
0x4b: {  	v6 =	vmul.f32 $2.000000030e-01, v4;
	v5 =	vmul.f32 v5, v12;
	v10 =	vld [tilespmem:s28+$0x2960]  }
0x4c: {  	v9 =	vadd.f32 v13, v9;
	v12 =	vld [tilespmem:$0xA180]  }
0x4d: {  	v4 =	vmax.f32 v4, v6;
	v3 =	vadd.f32 v11, v3;
	v6 =	vld [tilespmem:s28+$0x5160];
	(xrf2) =	vadd.scan.msk.f32 $0xffff, v5  }
0x4e: {  	v5 =	vmul.f32 $2.000000030e-01, v9;
	v4 =	vmul.f32 v4, v8;
	v8, _, _ =	vpop (xrf2)  }
0x4f: {  	v3 =	vadd.f32 v7, v3;
	v7 =	vld [tilespmem:$0xA300]  }
0x50: {  	v5 =	vmax.f32 v9, v5;
	v2 =	vadd.f32 v10, v2;
	(xrf2) =	vadd.scan.msk.f32 $0xffff, v4  }
0x51: {  	v4 =	vmul.f32 v5, v12;
	v10 =	vmul.f32 $2.000000030e-01, v3;
	v9, _, _ =	vpop (xrf2)  }
0x52: {  	v2 =	vadd.f32 v6, v2;
	v6 =	vld [tilespmem:$0xA480]  }
0x53: {  	v3 =	vmax.f32 v3, v10;
	(xrf2) =	vadd.scan.msk.f32 $0xffff, v4  }
0x54: {  	v7 =	vmul.f32 v3, v7;
	v4 =	vmul.f32 $2.000000030e-01, v2;
	v5, _, _ =	vpop (xrf2);
	_ =	sdelay $0x1  }
0x55: {  	v2 =	vmax.f32 v2, v4;
	(xrf2) =	vadd.scan.msk.f32 $0xffff, v7  }
0x56: {  	v4 =	vmul.f32 v2, v6;
	v3, _, _ =	vpop (xrf2);
	_ =	sdelay $0x1  }
0x57: {  	(xrf2) =	vadd.scan.msk.f32 $0xffff, v4  }
0x58: {  	v2, _, _ =	vpop (xrf2)  }
0x59: {  	s30 =	sshra.s32 s29, $0x2  }
0x5a: {  	v6 =	vld [tilespmem:s30+$0x5170]  }
0x5b: {  	v7 =	vld [tilespmem:s30+$0x5150];
	v4, _, _ =	vpop (xrf2)  }
0x5c: {  	v10 =	vld [tilespmem:s30+$0x170];
	v4 =	vbroadcast v4, $0xF  }
0x5d: {  	v12 =	vbroadcast v2, $0xF;
	v11 =	vld [tilespmem:s30+$0x2970]  }
0x5e: {  	v3 =	vbroadcast v3, $0xF;
	v13 =	vld [tilespmem:s30+$0x5140];
	v4 =	vnsel vm0, $0xF149F2CA, v4;
	v14, _, _ =	vpop (xrf2)  }
0x5f: {  	v2 =	vld [tilespmem:s30+$0x160];
	v4 =	vsel vm1, v4, v12;
	v16 =	vbroadcast v14, $0xF  }
0x60: {  	v14 =	vld [tilespmem:s30+$0x150];
	v3 =	vsel vm2, v4, v3;
	v4 =	vbroadcast v5, $0xF  }
0x61: {  	v9 =	vbroadcast v9, $0xF;
	v15 =	vld [tilespmem:s30+$0x2950];
	v3 =	vsel vm3, v3, v16;
	v12, _, _ =	vpop (xrf2)  }
0x62: {  	v5 =	vld [tilespmem:s30+$0x5120];
	v3 =	vsel vm4, v3, v4;
	v4 =	vbroadcast v12, $0xF  }
0x63: {  	v8 =	vbroadcast v8, $0xF;
	v12 =	vld [tilespmem:s30+$0x140];
	v3 =	vsel vm5, v3, v9  }
0x64: {  	v9 =	vld [tilespmem:s30+$0x2940];
	v3 =	vsel vm6, v3, v4  }
0x65: {  	v10 =	vadd.f32 v11, v10;
	v4 =	vld [tilespmem:s30+$0x5110];
	v8 =	vsel vm7, v3, v8  }
0x66: {  	v3 =	vld [tilespmem:s30+$0x130];
	[tilespmem:s28+$0x7900] =	vst v8;
	v1 =	vmax.f32 v1, v8;
	s28 =	smov.u32 s30  }
0x67: {  	v6 =	vadd.f32 v6, v10;
	v10 =	vld [tilespmem:$0xA500]  }
0x68: {  	v8 =	vadd.f32 v15, v14;
	v16 =	vld [tilespmem:s28+$0x120]  }
0x69: {  	v11 =	vmul.f32 $2.000000030e-01, v6;
	v14 =	vld [tilespmem:s28+$0x2920]  }
.Ltmp0:
0x6a: {  	v15 =	vadd.f32 v7, v8;
	v7 =	vld [tilespmem:$0xA400];
	(pc) =	sbr.rel @p0 .LBB2_3-.Ltmp0, $4  }
0x6b: {  	v6 =	vmax.f32 v6, v11;
	v9 =	vadd.f32 v9, v12;
	v8 =	vld [tilespmem:s28+$0x110]  }
0x6c: {  	v12 =	vmul.f32 $2.000000030e-01, v15;
	v11 =	vld [tilespmem:s28+$0x2910];
	v17 =	vmul.f32 v6, v10  }
0x6d: {  	v9 =	vadd.f32 v13, v9;
	v6 =	vld [tilespmem:$0xA380]  }
0x6e: {  	s29 =	sadd.s32 $0x200, s29;
	v12 =	vmax.f32 v15, v12;
	v10 =	vld [tilespmem:s28+$0x100];
	v13 =	vadd.f32 v14, v16;
	(xrf2) =	vadd.scan.msk.f32 $0xffff, v17  }
0x6f: {  	v14 =	vld [tilespmem:s28+$0x2900]  }
0x70: {  	v15 =	vld [tilespmem:$0xA280]  }
0x71: {  	v16 =	vld [tilespmem:s28+$0x5100]  }
0x72: {  	v17 =	vld [tilespmem:s28+$0x2930]  }
0x73: {  	v41 =	vld [tilespmem:$0xA200]  }
0x74: {  	v44 =	vld [tilespmem:s28+$0x2960];
	v8 =	vadd.f32 v11, v8  }
0x75: {  	v42 =	vld [tilespmem:s28+$0x5130];
	v43 =	vmul.f32 $2.000000030e-01, v9;
	v5 =	vadd.f32 v5, v13;
	v10 =	vadd.f32 v14, v10  }
0x76: {  	v7 =	vmul.f32 v12, v7;
	v46 =	vld [tilespmem:$0xA180];
	v4 =	vadd.f32 v4, v8  }
0x77: {  	v48 =	vld [tilespmem:s28+$0x5160];
	v9 =	vmax.f32 v9, v43;
	v45 =	vmul.f32 $2.000000030e-01, v5;
	v10 =	vadd.f32 v16, v10  }
0x78: {  	v6 =	vmul.f32 v9, v6;
	v3 =	vadd.f32 v17, v3;
	v47 =	vmul.f32 $2.000000030e-01, v4  }
0x79: {  	v5 =	vmax.f32 v5, v45;
	v2 =	vadd.f32 v44, v2;
	v49 =	vmul.f32 $2.000000030e-01, v10  }
0x7a: {  	v50 =	vld [tilespmem:$0xA300];
	(xrf2) =	vadd.scan.msk.f32 $0xffff, v7;
	v5 =	vmul.f32 v5, v15;
	v3 =	vadd.f32 v42, v3;
	v4 =	vmax.f32 v4, v47  }
0x7b: {  	(xrf2) =	vadd.scan.msk.f32 $0xffff, v6;
	v4 =	vmul.f32 v4, v41;
	v51 =	vmax.f32 v10, v49  }
0x7c: {  	v54 =	vld [tilespmem:$0xA480];
	v2 =	vadd.f32 v48, v2;
	(xrf2) =	vadd.scan.msk.f32 $0xffff, v5;
	v53 =	vmul.f32 $2.000000030e-01, v3;
	v52 =	vmul.f32 v51, v46  }
0x7d: {  	(xrf2) =	vadd.scan.msk.f32 $0xffff, v4  }
0x7e: {  	v55 =	vmul.f32 $2.000000030e-01, v2;
	v3 =	vmax.f32 v3, v53;
	(xrf2) =	vadd.scan.msk.f32 $0xffff, v52  }
0x7f: {  	v3 =	vmul.f32 v3, v50  }
0x80: {  	v2 =	vmax.f32 v2, v55  }
0x81: {  	v2 =	vmul.f32 v2, v54;
	(xrf2) =	vadd.scan.msk.f32 $0xffff, v3;
	_ =	sdelay $0x1  }
0x82: {  	v3, _, _ =	vpop (xrf2)  }
0x83: {  	(xrf2) =	vadd.scan.msk.f32 $0xffff, v2;
	v56, _, _ =	vpop (xrf2)  }
0x84: {  	v2, _, _ =	vpop (xrf2)  }
0x85: {  	v57, _, _ =	vpop (xrf2)  }
0x86: {  	v58, _, _ =	vpop (xrf2)  }
0x87: {  	v59, _, _ =	vpop (xrf2)  }
0x88: {  	v7 =	vbroadcast v59, $0xF  }
0x89: {  	v6 =	vbroadcast v58, $0xF  }
0x8a: {  	v5 =	vbroadcast v57, $0xF;
	v60, _, _ =	vpop (xrf2);
	v7 =	vnsel vm0, $0xF149F2CA, v7  }
0x8b: {  	v61 =	vbroadcast v60, $0xF;
	v6 =	vsel vm1, v7, v6  }
0x8c: {  	v2 =	vbroadcast v2, $0xF;
	v5 =	vsel vm2, v6, v5  }
0x8d: {  	v4 =	vbroadcast v56, $0xF;
	v62, _, _ =	vpop (xrf2);
	v5 =	vsel vm3, v5, v61  }
0x8e: {  	v63 =	vbroadcast v62, $0xF;
	v2 =	vsel vm4, v5, v2  }
0x8f: {  	v3 =	vbroadcast v3, $0xF;
	v2 =	vsel vm5, v2, v4  }
0x90: {  	v2 =	vsel vm6, v2, v63  }
0x91: {  	s25 =	sadd.s32 $0x1, s25;
	v2 =	vsel vm7, v2, v3  }
0x92: {  	p0 =	sne.s32 s25, $0x7D;
	[tilespmem:s28+$0x7900] =	vst v2;
	v1 =	vmax.f32 v1, v2  }
.Ltmp1:
0x93: {  	s26 =	sadd.s32 s9, s26;
	[tilespmem:$0xA100] =	vst v1;
	(pc) =	sbr.rel @p0 .LBB2_2-.Ltmp1, $4  }
0x94: {  	[hbm4b:s26+s3] =	stream.linear.scatter [tilespmem:s22], [sflag:$0x3], $0x2800, $0x38;
	[tilespmem:$0xA580] =	vst v63  }
0x95: {  	_ =	swait.ge [sflag:s14], $0x2800  }
0x96: {  	[sflag:s14] =	ssyncset.done $0x0  }
0x97: {  	[sflag:s14] =	ssyncadd.s32 $0xFFFFD800  }
0x98: {  	s24 =	sadd.s32 $0x1, s24  }
0x99: {  	p0 =	sne.s32 s24, s12  }
.Ltmp2:
0x9a: {  	_ = 	snop;
	(pc) =	sbr.rel @p0 .LBB2_1-.Ltmp2, $4  }
0x9b: {  	[hbm4b:s11+s3] =	stream.linear.scatter [tilespmem:s23], [sflag:$0x3], $0x80, $0x38;
	[tilespmem:$0xA580] =	vst v63  }
0x9c: {  	_ =	swait.ge [sflag:s14], $0x80  }
0x9d: {  	[sflag:s14] =	ssyncset.done $0x0  }
0x9e: {  	[sflag:s14] =	ssyncadd.s32 $0xFFFFFF80  }
0x9f: {  	_ =	sfence.sel $0x180000  }
0xa0: {  	[bflag:$0x0] =	sbarrier.arrive $0xFFFF  }
0xa1: {  	p0 =	sne.s32 s4, $0x0;
	_ =	strace $0x90000047  }
0xa2: {  	s0 =	sadd.s32 @!p0 $0x100000, s0;
	[bflag:$0x2] =	sbarrier.arrive $0xFFFF  }
0xa3: {  	[sflag:s0] =	ssyncadd.tile.s32 @!p0 $0x1;
	_ =	shalt  }
.Lfunc_end2:
_tile_overlayer_lowered:
.L_overlay_start_2:
0xa4: {  	(tag) =	ssettag $0x2  }
0xa5: {  	s0 =	rddreg [dreg:$0x0];
	s2 =	stileid.u32  }
0xa6: {  	s1 =	rddreg [dreg:$0x1];
	p0 =	sne.s32 s2, $0x0  }
0xa7: {  	s3 =	rddreg [dreg:$0x2];
	[bflag:$0x3] =	sbarrier.arrive $0xFFFF;
	s2 =	simm.s32 @!p0 $0x1C03  }
0xa8: {  	[timem:s3], [sflag:s2] =	dma.local @!p0 [hbm:s0], s1  }
0xa9: {  	s0 =	simm.s32 @!p0 $0x3  }
0xaa: {  	_ =	swait.ge @!p0 [sflag:s0], s1  }
0xab: {  	s1 =	ssub.s32 @!p0 $0x0, s1;
	[sflag:s0] =	ssyncset.done @!p0 $0x0  }
0xac: {  	[sflag:s0] =	ssyncadd.s32 @!p0 s1  }
0xad: {  	[bflag:$0x3] =	sbarrier.arrive $0xFFFF  }
0xae: {  	_ =	shalt  }

// kernel: scatter_offload_async_start
scs
__scs_entry_jumppad:
0x0: {  	(pc) =	sbr.rel $0x88, $3  }
0x1: {  	(tag) =	ssettag $0x0;
	lr =	simm.s32 $0x1  }
0x2: {  	[smem:$0x3F93] =	sst lr;
	_ =	strace $0xD0000000  }
0x3: {  	_ = 	snop  }
0x4: {  	_ = 	snop  }
0x5: {  	_ = 	snop  }
0x6: {  	_ = 	snop  }
0x7: {  	_ = 	snop  }
__scs_overlays_trampoline_lowered:
0x8: {  	[smem:$0x3FA2] =	sst s0  }
0x9: {  	[smem:$0x3FA3] =	sst s1  }
0xa: {  	[smem:$0x3FA4] =	sst s2  }
0xb: {  	[smem:$0x3FA5] =	sst s3  }
0xc: {  	[smem:$0x3FA6] =	sst s4  }
0xd: {  	[smem:$0x3FA7] =	sst s5  }
0xe: {  	[smem:$0x3FA8] =	sst s6  }
0xf: {  	[smem:$0x3FA9] =	sst s7  }
0x10: {  	[smem:$0x3FAA] =	sst s8  }
0x11: {  	[smem:$0x3FAB] =	sst s9;
	s0 =	simm.s32 @!p0 $0x0  }
0x12: {  	s1 =	sld [smem:$0x3F91];
	s0 =	simm.s32 @p0 $0x1  }
0x13: {  	[smem:$0x3FAC] =	sst s0;
	s0 =	simm.s32 @!p1 $0x0  }
0x14: {  	s2 =	sld [smem:$0x3F90];
	s0 =	simm.s32 @p1 $0x1  }
0x15: {  	[smem:$0x3FAD] =	sst s0;
	s0 =	simm.s32 @!p2 $0x0  }
0x16: {  	s3 =	sld [smem:$0x3FDB];
	s0 =	simm.s32 @p2 $0x1  }
0x17: {  	s4 =	simm.s32 $0x1BF5;
	[smem:$0x3FAF] =	sst s0  }
0x18: {  	s0 =	sld [smem:$0x3F92];
	_ =	swait.ge [sflag:s4], $0x0  }
0x19: {  	s7 =	sld [smem:$0x3F93]  }
0x1a: {  	s8 =	sadd.s32 $0xFFFFE003, lr  }
0x1b: {  	s9 =	sadd.s32 $0xFFFFFEF7, lr;
	s5 =	simm.s32 $0xFFFFFFFF;
	p2 =	slt.u32 s8, $0xFFFFF086  }
0x1c: {  	p1 =	slt.u32 s9, $0xF7A;
	s5 =	simm.s32 @!p2 $0x0  }
0x1d: {  	s5 =	simm.s32 @p1 $0x1;
	p0 =	seq.s32 s7, s2  }
0x1e: {  	s7 =	smul.u32 @!p0 $0xF7A, s2;
	p2 =	seq.s32 @!p0 s5, $0x0  }
0x1f: {  	s9 =	smul.u32 $0xF7A, s1;
	s8 =	simm.s32 @!p0 $0x1BF5;
	p2 =	por !p2, p0  }
0x20: {  	[sflag:s8] =	ssyncset.s32 @!p0 $0xFFFFF086;
	s6 =	sadd.s32 @!p0 s3, s7;
	s7 =	simm.s32 @!p0 $0x108  }
0x21: {  	s3 =	sadd.s32 s3, s9;
	s6 =	sadd.s32 @!p0 $0x88, s6;
	s7 =	simm.s32 @p2 $0x1082  }
0x22: {  	[simem:s7], [sflag:s8] =	dma.local @!p0 [hbm:s6], $0xF7A  }
0x23: {  	s9 =	sor.u32 $0xD0000000, s2;
	s6 =	simm.s32 $0x108;
	_ =	swait.ge @!p0 [sflag:s8], $0x0  }
0x24: {  	s3 =	sadd.s32 $0x88, s3;
	s6 =	simm.s32 @!p1 $0x1082;
	[sflag:s4] =	ssyncset.s32 $0xFFFFF086  }
0x25: {  	[simem:s6], [sflag:s4] =	dma.local [hbm:s3], $0xF7A  }
0x26: {  	[smem:$0x3F93] =	sst s1;
	(tag) =	ssettag s2;
	_ =	strace s9  }
0x27: {  	s1 =	sld [smem:$0x3FA3]  }
0x28: {  	s2 =	sld [smem:$0x3FA4]  }
0x29: {  	s4 =	sld [smem:$0x3FA6]  }
0x2a: {  	p0 =	seq.s32 s5, $0x0;
	s5 =	sld [smem:$0x3FA7]  }
0x2b: {  	s6 =	sld [smem:$0x3FA8]  }
0x2c: {  	s7 =	sld [smem:$0x3FA9]  }
0x2d: {  	s3 =	simm.s32 $0x108;
	s8 =	sld [smem:$0x3FAA]  }
0x2e: {  	s3 =	simm.s32 @!p0 $0x1082;
	s9 =	sld [smem:$0x3FAB]  }
0x2f: {  	lr =	sadd.s32 s0, s3;
	s0 =	sld [smem:$0x3FA2]  }
0x30: {  	s3 =	sld [smem:$0x3FA5]  }
0x31: {  	[smem:$0x3FAE] =	sst s10  }
0x32: {  	s10 =	sld [smem:$0x3FAC];
	_ =	sdelay $0x3  }
0x33: {  	p0 =	seq.s32 s10, $0x1;
	s10 =	sld [smem:$0x3FAE];
	_ =	sdelay $0x3  }
0x34: {  	[smem:$0x3FAE] =	sst s10  }
0x35: {  	s10 =	sld [smem:$0x3FAD];
	_ =	sdelay $0x3  }
0x36: {  	p1 =	seq.s32 s10, $0x1;
	s10 =	sld [smem:$0x3FAE];
	_ =	sdelay $0x3  }
0x37: {  	[smem:$0x3FAE] =	sst s10  }
0x38: {  	s10 =	sld [smem:$0x3FAF]  }
0x39: {  	_ = 	snop;
	(pc) =	sbr.ind lr, $3  }
0x3a: {  	_ = 	snop  }
0x3b: {  	_ = 	snop  }
0x3c: {  	p2 =	seq.s32 s10, $0x1;
	s10 =	sld [smem:$0x3FAE]  }
0x3d: {  	_ =	shalt  }
0x3e: {  	_ =	shalt  }
0x3f: {  	_ =	shalt  }
0x40: {  	_ =	shalt  }
0x41: {  	_ =	shalt  }
0x42: {  	_ =	shalt  }
0x43: {  	_ =	shalt  }
0x44: {  	_ =	shalt  }
0x45: {  	_ =	shalt  }
0x46: {  	_ =	shalt  }
0x47: {  	_ =	shalt  }
0x48: {  	_ =	shalt  }
0x49: {  	_ =	shalt  }
0x4a: {  	_ =	shalt  }
0x4b: {  	_ =	shalt  }
0x4c: {  	_ =	shalt  }
0x4d: {  	_ =	shalt  }
0x4e: {  	_ =	shalt  }
0x4f: {  	_ =	shalt  }
0x50: {  	_ =	shalt  }
0x51: {  	_ =	shalt  }
0x52: {  	_ =	shalt  }
0x53: {  	_ =	shalt  }
0x54: {  	_ =	shalt  }
0x55: {  	_ =	shalt  }
0x56: {  	_ =	shalt  }
0x57: {  	_ =	shalt  }
0x58: {  	_ =	shalt  }
0x59: {  	_ =	shalt  }
0x5a: {  	_ =	shalt  }
0x5b: {  	_ =	shalt  }
0x5c: {  	_ =	shalt  }
0x5d: {  	_ =	shalt  }
0x5e: {  	_ =	shalt  }
0x5f: {  	_ =	shalt  }
0x60: {  	_ =	shalt  }
0x61: {  	_ =	shalt  }
0x62: {  	_ =	shalt  }
0x63: {  	_ =	shalt  }
0x64: {  	_ =	shalt  }
0x65: {  	_ =	shalt  }
0x66: {  	_ =	shalt  }
0x67: {  	_ =	shalt  }
0x68: {  	_ =	shalt  }
0x69: {  	_ =	shalt  }
0x6a: {  	_ =	shalt  }
0x6b: {  	_ =	shalt  }
0x6c: {  	_ =	shalt  }
0x6d: {  	_ =	shalt  }
0x6e: {  	_ =	shalt  }
0x6f: {  	_ =	shalt  }
0x70: {  	_ =	shalt  }
0x71: {  	_ =	shalt  }
0x72: {  	_ =	shalt  }
0x73: {  	_ =	shalt  }
0x74: {  	_ =	shalt  }
0x75: {  	_ =	shalt  }
0x76: {  	_ =	shalt  }
0x77: {  	_ =	shalt  }
0x78: {  	_ =	shalt  }
0x79: {  	_ =	shalt  }
0x7a: {  	_ =	shalt  }
0x7b: {  	_ =	shalt  }
0x7c: {  	_ =	shalt  }
0x7d: {  	_ =	shalt  }
0x7e: {  	_ =	shalt  }
0x7f: {  	_ =	shalt  }
0x80: {  	_ =	shalt  }
0x81: {  	_ =	shalt  }
0x82: {  	_ =	shalt  }
0x83: {  	_ =	shalt  }
0x84: {  	_ =	shalt  }
0x85: {  	_ =	shalt  }
0x86: {  	_ =	shalt  }
0x87: {  	_ =	shalt  }
.Lfunc_end0:
.L_simem_size_0:
called_computation_lowered:
.L_overlay_start_0:
0x88: {  	s2 =	sld [smem:$0x3FD9]  }
0x89: {  	s3 =	sld [smem:$0x3FFE];
	_ =	sdelay $0x1  }
0x8a: {  	s1 =	srdreg.scid  }
0x8b: {  	s0 =	sand.u32 $0x1, s1  }
0x8c: {  	s17 =	sshll.u32 s0, $0xA;
	s2 =	sadd.s32 s3, s2  }
0x8d: {  	s2 =	sadd.s32 s2, s17  }
0x8e: {  	[smem:$0x3FBA] =	sst s2  }
0x8f: {  	_ = 	snop  }
0x90: {  	s18 =	sld [smem:$0x3FD0];
	(tm) =	ssettm $0x1  }
0x91: {  	s19 =	sld [smem:$0x3FFB];
	_ =	sdelay $0x3  }
0x92: {  	_ =	strace s19  }
0x93: {  	s2 =	sld [smem:$0x3FFC];
	_ =	sdelay $0x3  }
0x94: {  	_ =	strace s2  }
0x95: {  	s2 =	sld [smem:$0x3FFD];
	_ =	sdelay $0x3  }
0x96: {  	_ =	strace s2  }
0x97: {  	_ =	strace $0x8FFFFFFF  }
0x98: {  	s20 =	sld [smem:$0x3FDB];
	_ =	sdelay $0x1  }
0x99: {  	s4 =	simm.s32 $_scs_section_size  }
0x9a: {  	s5 =	simm.s32 $_size__tile_overlayer_lowered;
	s6 =	simm.s32 $_tile_overlayer_lowered  }
0x9b: {  	s7 =	simm.s32 $0x1BFF;
	s21 =	sshll.u32 s6, $0x1;
	s4 =	sadd.s32 s4, s20  }
0x9c: {  	s22 =	simm.s32 $0x0;
	s5 =	sshll.u32 s5, $0x1;
	s6 =	sadd.s32 s21, s4  }
0x9d: {  	[timem:s22], [sflag:s7] =	dma.local [hbm:s6], s5  }
0x9e: {  	_ =	swait.ge [sflag:s7], s5  }
0x9f: {  	s5 =	ssub.s32 $0x0, s5;
	[sflag:s7] =	ssyncset.done $0x0  }
0xa0: {  	[sflag:s7] =	ssyncadd.s32 s5;
	_ =	sdelay $0x1  }
0xa1: {  	s23 =	simm.s32 $0x1B8B  }
0xa2: {  	_ =	swait.ge [sflag:s23], $0x1  }
0xa3: {  	[sflag:s23] =	ssyncset.done $0x0  }
0xa4: {  	[sflag:s23] =	ssyncadd.s32 $0xFFFFFFFF  }
0xa5: {  	s5 =	sld [smem:$0x0]  }
0xa6: {  	s6 =	sand.u32 $0xFFFFFFFE, s1  }
0xa7: {  	p0 =	sne.s32 s1, s6  }
0xa8: {  	s6 =	sshll.u32 @p0 s6, $0xE  }
0xa9: {  	s6 =	sadd.s32 @p0 $0x11B8D, s6;
	s7 =	sshll.u32 @p0 s5, $0x11  }
0xaa: {  	s6 =	sor.u32 @p0 s7, s6  }
0xab: {  	[sflag:s6] =	ssyncadd.remote.s32 @p0 $0x1;
	_ =	sdelay $0x1  }
0xac: {  	s6 =	simm.s32 @p0 $0x1B8D  }
0xad: {  	_ =	swait.eq @p0 [sflag:s6], $0x1  }
0xae: {  	[sflag:s6] =	ssyncadd.s32 @p0 $0xFFFFFFFF  }
0xaf: {  	s7 =	sshll.u32 @!p0 s1, $0xE  }
0xb0: {  	s7 =	sor.u32 @!p0 $0x4000, s7;
	s6 =	simm.s32 @!p0 $0x1B8D  }
0xb1: {  	s8 =	sshll.u32 @!p0 s5, $0x11;
	s7 =	sadd.s32 @!p0 $0x11B8D, s7;
	_ =	swait.eq @!p0 [sflag:s6], $0x1  }
0xb2: {  	[sflag:s6] =	ssyncadd.s32 @!p0 $0xFFFFFFFF;
	s6 =	sor.u32 @!p0 s8, s7  }
0xb3: {  	s25 =	simm.s32 $0x1B8E;
	s24 =	sld [smem:$0x3FFE];
	[sflag:s6] =	ssyncadd.remote.s32 @!p0 $0x1  }
0xb4: {  	s26 =	simm.s32 $execute0_lowered;
	[smem:$0x3FD2] =	sst s25  }
0xb5: {  	s7 =	sshll.u32 s26, $0x1;
	_ =	strace $0x8000004F;
	[dreg:$0x1] =	wrdreg $0xFFFFFFFF  }
0xb6: {  	s28 =	simm.s32 $_size_execute0_lowered;
	s4 =	sadd.s32 s4, s7;
	[dreg:$0x0] =	wrdreg $0x0  }
0xb7: {  	s7 =	sshll.u32 s28, $0x1;
	[dreg:$0x2] =	wrdreg s4  }
0xb8: {  	[dreg:$0x3] =	wrdreg s7  }
0xb9: {  	[dreg:$0x4] =	wrdreg $0xC0  }
0xba: {  	_ =	task [dreg:s22], $0x5FFFF  }
0xbb: {  	[dreg:$0x1] =	wrdreg $0xFFFFFFFF  }
0xbc: {  	[dreg:$0x0] =	wrdreg $0x60  }
0xbd: {  	[dreg:$0x2] =	wrdreg s18  }
0xbe: {  	[dreg:$0x3] =	wrdreg s24  }
0xbf: {  	[dreg:$0x4] =	wrdreg s1  }
0xc0: {  	[dreg:$0x5] =	wrdreg s5  }
0xc1: {  	[dreg:$0x6] =	wrdreg $0x9  }
0xc2: {  	_ =	task.clear_ibuf [dreg:s22], $0x7FFFF;
	_ =	strace $0x9000004F  }
0xc3: {  	s29 =	simm.s32 $0x9;
	_ =	strace $0x80000051  }
0xc4: {  	_ =	swait.ge [sflag:s29], $0x1  }
0xc5: {  	[sflag:s29] =	ssyncadd.s32 $0xFFFFFFFF  }
0xc6: {  	_ =	strace $0x90000051  }
0xc7: {  	_ =	sfence  }
0xc8: {  	s30 =	sld [smem:$0x0];
	_ =	sdelay $0x2  }
0xc9: {  	s31 =	sshll.u32 s1, $0xD;
	s1 =	sshrl.u32 s1, $0x2  }
0xca: {  	s4 =	sand.u32 $0x4000, s31;
	s1 =	sadd.s32 s1, s30  }
0xcb: {  	s0 =	sor.u32 s4, s0;
	s1 =	sshll.u32 s1, $0x11  }
0xcc: {  	s0 =	sor.u32 s1, s0  }
0xcd: {  	s0 =	sadd.s32 $0x8F2B, s0  }
0xce: {  	[sflag:s0] =	ssyncadd.remote.s32 $0x1  }
0xcf: {  	_ =	sfence.sel $0xFFFF  }
0xd0: {  	[dreg:$0x0] =	wrdreg $0xFFFFFFFF;
	(pc) =	sbr.abs _section_cstart, $3  }
0xd1: {  	[dreg:$0x1] =	wrdreg $0xFFFFFFFF  }
0xd2: {  	_ =	task.clear_ibuf [dreg:s22], $0x2FFFF;
	_ =	strace $0x9FFFFFFF  }
0xd3: {  	(tm) =	ssettm $0x7FFFFFFF  }
tec
execute0_lowered:
.L_overlay_start_1:
0x0: {  	(tag) =	ssettag $0x1  }
0x1: {  	s1 =	rddreg [dreg:$0x0]  }
0x2: {  	s11 =	rddreg [dreg:$0x1]  }
0x3: {  	s3 =	rddreg [dreg:$0x2];
	_ =	strace $0x80000050;
	s12 =	simm.s32 $0x1  }
0x4: {  	v0 =	vimm.s32 $0x0;
	[sflag:s12] =	ssyncpa.u1 $0x0  }
0x5: {  	[tilespmem:$0x28] =	vst v0  }
0x6: {  	[tilespmem:$0x38] =	vst v0  }
0x7: {  	[tilespmem:$0x48] =	vst v0  }
0x8: {  	[tilespmem:$0x58] =	vst v0  }
0x9: {  	[tilespmem:$0x68] =	vst v0  }
0xa: {  	[tilespmem:$0x78] =	vst v0  }
0xb: {  	[tilespmem:$0x88] =	vst v0  }
0xc: {  	[tilespmem:$0x98] =	vst v0  }
0xd: {  	[tilespmem:$0xA8] =	vst v0  }
0xe: {  	[tilespmem:$0xB8] =	vst v0  }
0xf: {  	[tilespmem:$0xC8] =	vst v0  }
0x10: {  	[tilespmem:$0xD8] =	vst v0  }
0x11: {  	[tilespmem:$0xE8] =	vst v0  }
0x12: {  	[tilespmem:$0xF8] =	vst v0  }
0x13: {  	[tilespmem:$0x108] =	vst v0  }
0x14: {  	[tilespmem:$0x118] =	vst v0  }
0x15: {  	[tilespmem:$0x128] =	vst v0  }
0x16: {  	[tilespmem:$0x138] =	vst v0  }
0x17: {  	[tilespmem:$0x148] =	vst v0  }
0x18: {  	[tilespmem:$0x158] =	vst v0  }
0x19: {  	[tilespmem:$0x168] =	vst v0  }
0x1a: {  	[tilespmem:$0x178] =	vst v0  }
0x1b: {  	[tilespmem:$0x188] =	vst v0  }
0x1c: {  	[tilespmem:$0x198] =	vst v0  }
0x1d: {  	[tilespmem:$0x1A8] =	vst v0  }
0x1e: {  	[tilespmem:$0x1B8] =	vst v0  }
0x1f: {  	[tilespmem:$0x1C8] =	vst v0  }
0x20: {  	[tilespmem:$0x1D8] =	vst v0  }
0x21: {  	[tilespmem:$0x1E8] =	vst v0  }
0x22: {  	[tilespmem:$0x1F8] =	vst v0  }
0x23: {  	[tilespmem:$0x208] =	vst v0  }
0x24: {  	[tilespmem:$0x218] =	vst v0  }
0x25: {  	[tilespmem:$0x228] =	vst v0  }
0x26: {  	[tilespmem:$0x238] =	vst v0  }
0x27: {  	[tilespmem:$0x248] =	vst v0  }
0x28: {  	[tilespmem:$0x258] =	vst v0  }
0x29: {  	[tilespmem:$0x268] =	vst v0  }
0x2a: {  	[tilespmem:$0x278] =	vst v0  }
0x2b: {  	[tilespmem:$0x288] =	vst v0  }
0x2c: {  	[tilespmem:$0x298] =	vst v0  }
0x2d: {  	[tilespmem:$0x2A8] =	vst v0  }
0x2e: {  	[tilespmem:$0x2B8] =	vst v0  }
0x2f: {  	[tilespmem:$0x2C8] =	vst v0  }
0x30: {  	[tilespmem:$0x2D8] =	vst v0  }
0x31: {  	[tilespmem:$0x2E8] =	vst v0  }
0x32: {  	[tilespmem:$0x2F8] =	vst v0  }
0x33: {  	[tilespmem:$0x308] =	vst v0  }
0x34: {  	[tilespmem:$0x318] =	vst v0  }
0x35: {  	[tilespmem:$0x328] =	vst v0  }
0x36: {  	[tilespmem:$0x338] =	vst v0  }
0x37: {  	[tilespmem:$0x348] =	vst v0  }
0x38: {  	[tilespmem:$0x358] =	vst v0  }
0x39: {  	[tilespmem:$0x368] =	vst v0  }
0x3a: {  	[tilespmem:$0x378] =	vst v0  }
0x3b: {  	[tilespmem:$0x388] =	vst v0  }
0x3c: {  	[tilespmem:$0x398] =	vst v0  }
0x3d: {  	[tilespmem:$0x3A8] =	vst v0  }
0x3e: {  	[tilespmem:$0x3B8] =	vst v0  }
0x3f: {  	[tilespmem:$0x3C8] =	vst v0  }
0x40: {  	[tilespmem:$0x3D8] =	vst v0  }
0x41: {  	[tilespmem:$0x3E8] =	vst v0  }
0x42: {  	[tilespmem:$0x3F8] =	vst v0  }
0x43: {  	[tilespmem:$0x408] =	vst v0  }
0x44: {  	[tilespmem:$0x418] =	vst v0  }
0x45: {  	[tilespmem:$0x428] =	vst v0  }
0x46: {  	[tilespmem:$0x438] =	vst v0  }
0x47: {  	[tilespmem:$0x448] =	vst v0  }
0x48: {  	[tilespmem:$0x458] =	vst v0  }
0x49: {  	[tilespmem:$0x468] =	vst v0  }
0x4a: {  	[tilespmem:$0x478] =	vst v0  }
0x4b: {  	[tilespmem:$0x488] =	vst v0  }
0x4c: {  	[tilespmem:$0x498] =	vst v0  }
0x4d: {  	[tilespmem:$0x4A8] =	vst v0  }
0x4e: {  	[tilespmem:$0x4B8] =	vst v0  }
0x4f: {  	[tilespmem:$0x4C8] =	vst v0  }
0x50: {  	[tilespmem:$0x4D8] =	vst v0  }
0x51: {  	[tilespmem:$0x4E8] =	vst v0  }
0x52: {  	[tilespmem:$0x4F8] =	vst v0  }
0x53: {  	[tilespmem:$0x508] =	vst v0  }
0x54: {  	[tilespmem:$0x518] =	vst v0  }
0x55: {  	[tilespmem:$0x528] =	vst v0  }
0x56: {  	[tilespmem:$0x538] =	vst v0  }
0x57: {  	[tilespmem:$0x548] =	vst v0  }
0x58: {  	[tilespmem:$0x558] =	vst v0  }
0x59: {  	[tilespmem:$0x568] =	vst v0  }
0x5a: {  	[tilespmem:$0x578] =	vst v0  }
0x5b: {  	[tilespmem:$0x588] =	vst v0  }
0x5c: {  	[tilespmem:$0x598] =	vst v0  }
0x5d: {  	[tilespmem:$0x5A8] =	vst v0  }
0x5e: {  	[tilespmem:$0x5B8] =	vst v0  }
0x5f: {  	[tilespmem:$0x5C8] =	vst v0  }
0x60: {  	[tilespmem:$0x5D8] =	vst v0  }
0x61: {  	[tilespmem:$0x5E8] =	vst v0  }
0x62: {  	[tilespmem:$0x5F8] =	vst v0  }
0x63: {  	[tilespmem:$0x608] =	vst v0  }
0x64: {  	[tilespmem:$0x618] =	vst v0  }
0x65: {  	[tilespmem:$0x628] =	vst v0  }
0x66: {  	[tilespmem:$0x638] =	vst v0  }
0x67: {  	[tilespmem:$0x648] =	vst v0  }
0x68: {  	[tilespmem:$0x658] =	vst v0  }
0x69: {  	[tilespmem:$0x668] =	vst v0  }
0x6a: {  	[tilespmem:$0x678] =	vst v0  }
0x6b: {  	[tilespmem:$0x688] =	vst v0  }
0x6c: {  	[tilespmem:$0x698] =	vst v0  }
0x6d: {  	[tilespmem:$0x6A8] =	vst v0  }
0x6e: {  	[tilespmem:$0x6B8] =	vst v0  }
0x6f: {  	[tilespmem:$0x6C8] =	vst v0  }
0x70: {  	[tilespmem:$0x6D8] =	vst v0  }
0x71: {  	[tilespmem:$0x6E8] =	vst v0  }
0x72: {  	[tilespmem:$0x6F8] =	vst v0  }
0x73: {  	[tilespmem:$0x708] =	vst v0  }
0x74: {  	[tilespmem:$0x718] =	vst v0  }
0x75: {  	[tilespmem:$0x728] =	vst v0  }
0x76: {  	[tilespmem:$0x738] =	vst v0  }
0x77: {  	[tilespmem:$0x748] =	vst v0  }
0x78: {  	[tilespmem:$0x758] =	vst v0  }
0x79: {  	[tilespmem:$0x768] =	vst v0  }
0x7a: {  	[tilespmem:$0x778] =	vst v0  }
0x7b: {  	[tilespmem:$0x788] =	vst v0  }
0x7c: {  	[tilespmem:$0x798] =	vst v0  }
0x7d: {  	[tilespmem:$0x7A8] =	vst v0  }
0x7e: {  	[tilespmem:$0x7B8] =	vst v0  }
0x7f: {  	[tilespmem:$0x7C8] =	vst v0  }
0x80: {  	[tilespmem:$0x7D8] =	vst v0  }
0x81: {  	[tilespmem:$0x7E8] =	vst v0  }
0x82: {  	[tilespmem:$0x7F8] =	vst v0  }
0x83: {  	[tilespmem:$0x808] =	vst v0  }
0x84: {  	[tilespmem:$0x818] =	vst v0  }
0x85: {  	[tilespmem:$0x828] =	vst v0  }
0x86: {  	[tilespmem:$0x838] =	vst v0  }
0x87: {  	[tilespmem:$0x848] =	vst v0  }
0x88: {  	[tilespmem:$0x858] =	vst v0  }
0x89: {  	[tilespmem:$0x868] =	vst v0  }
0x8a: {  	[tilespmem:$0x878] =	vst v0  }
0x8b: {  	[tilespmem:$0x888] =	vst v0  }
0x8c: {  	[tilespmem:$0x898] =	vst v0  }
0x8d: {  	[tilespmem:$0x8A8] =	vst v0  }
0x8e: {  	[tilespmem:$0x8B8] =	vst v0  }
0x8f: {  	[tilespmem:$0x8C8] =	vst v0  }
0x90: {  	[tilespmem:$0x8D8] =	vst v0  }
0x91: {  	[tilespmem:$0x8E8] =	vst v0  }
0x92: {  	[tilespmem:$0x8F8] =	vst v0  }
0x93: {  	[tilespmem:$0x908] =	vst v0  }
0x94: {  	[tilespmem:$0x918] =	vst v0  }
0x95: {  	[tilespmem:$0x928] =	vst v0  }
0x96: {  	[tilespmem:$0x938] =	vst v0  }
0x97: {  	[tilespmem:$0x948] =	vst v0  }
0x98: {  	[tilespmem:$0x958] =	vst v0  }
0x99: {  	[tilespmem:$0x968] =	vst v0  }
0x9a: {  	[tilespmem:$0x978] =	vst v0  }
0x9b: {  	[tilespmem:$0x988] =	vst v0  }
0x9c: {  	[tilespmem:$0x998] =	vst v0  }
0x9d: {  	[tilespmem:$0x9A8] =	vst v0  }
0x9e: {  	[tilespmem:$0x9B8] =	vst v0  }
0x9f: {  	[tilespmem:$0x9C8] =	vst v0  }
0xa0: {  	[tilespmem:$0x9D8] =	vst v0  }
0xa1: {  	[tilespmem:$0x9E8] =	vst v0  }
0xa2: {  	[tilespmem:$0x9F8] =	vst v0  }
0xa3: {  	[tilespmem:$0xA08] =	vst v0  }
0xa4: {  	[tilespmem:$0xA18] =	vst v0  }
0xa5: {  	[tilespmem:$0xA28] =	vst v0  }
0xa6: {  	[tilespmem:$0xA38] =	vst v0  }
0xa7: {  	[tilespmem:$0xA48] =	vst v0  }
0xa8: {  	[tilespmem:$0xA58] =	vst v0  }
0xa9: {  	[tilespmem:$0xA68] =	vst v0  }
0xaa: {  	[tilespmem:$0xA78] =	vst v0  }
0xab: {  	[tilespmem:$0xA88] =	vst v0  }
0xac: {  	[tilespmem:$0xA98] =	vst v0  }
0xad: {  	[tilespmem:$0xAA8] =	vst v0  }
0xae: {  	[tilespmem:$0xAB8] =	vst v0  }
0xaf: {  	[tilespmem:$0xAC8] =	vst v0  }
0xb0: {  	[tilespmem:$0xAD8] =	vst v0  }
0xb1: {  	[tilespmem:$0xAE8] =	vst v0  }
0xb2: {  	[tilespmem:$0xAF8] =	vst v0  }
0xb3: {  	[tilespmem:$0xB08] =	vst v0  }
0xb4: {  	[tilespmem:$0xB18] =	vst v0  }
0xb5: {  	[tilespmem:$0xB28] =	vst v0  }
0xb6: {  	[tilespmem:$0xB38] =	vst v0  }
0xb7: {  	[tilespmem:$0xB48] =	vst v0  }
0xb8: {  	[tilespmem:$0xB58] =	vst v0  }
0xb9: {  	[tilespmem:$0xB68] =	vst v0  }
0xba: {  	[tilespmem:$0xB78] =	vst v0  }
0xbb: {  	[tilespmem:$0xB88] =	vst v0  }
0xbc: {  	[tilespmem:$0xB98] =	vst v0  }
0xbd: {  	[tilespmem:$0xBA8] =	vst v0  }
0xbe: {  	[tilespmem:$0xBB8] =	vst v0  }
0xbf: {  	[tilespmem:$0xBC8] =	vst v0  }
0xc0: {  	[tilespmem:$0xBD8] =	vst v0  }
0xc1: {  	[tilespmem:$0xBE8] =	vst v0  }
0xc2: {  	[tilespmem:$0xBF8] =	vst v0  }
0xc3: {  	[tilespmem:$0xC08] =	vst v0  }
0xc4: {  	[tilespmem:$0xC18] =	vst v0  }
0xc5: {  	[tilespmem:$0xC28] =	vst v0  }
0xc6: {  	[tilespmem:$0xC38] =	vst v0  }
0xc7: {  	[tilespmem:$0xC48] =	vst v0  }
0xc8: {  	[tilespmem:$0xC58] =	vst v0  }
0xc9: {  	[tilespmem:$0xC68] =	vst v0  }
0xca: {  	[tilespmem:$0xC78] =	vst v0  }
0xcb: {  	[tilespmem:$0xC88] =	vst v0  }
0xcc: {  	[tilespmem:$0xC98] =	vst v0  }
0xcd: {  	[tilespmem:$0xCA8] =	vst v0  }
0xce: {  	[tilespmem:$0xCB8] =	vst v0  }
0xcf: {  	[tilespmem:$0xCC8] =	vst v0  }
0xd0: {  	[tilespmem:$0xCD8] =	vst v0  }
0xd1: {  	[tilespmem:$0xCE8] =	vst v0  }
0xd2: {  	[tilespmem:$0xCF8] =	vst v0  }
0xd3: {  	[tilespmem:$0xD08] =	vst v0  }
0xd4: {  	[tilespmem:$0xD18] =	vst v0  }
0xd5: {  	[tilespmem:$0xD28] =	vst v0  }
0xd6: {  	[tilespmem:$0xD38] =	vst v0  }
0xd7: {  	[tilespmem:$0xD48] =	vst v0  }
0xd8: {  	[tilespmem:$0xD58] =	vst v0  }
0xd9: {  	[tilespmem:$0xD68] =	vst v0  }
0xda: {  	[tilespmem:$0xD78] =	vst v0  }
0xdb: {  	[tilespmem:$0xD88] =	vst v0  }
0xdc: {  	[tilespmem:$0xD98] =	vst v0  }
0xdd: {  	[tilespmem:$0xDA8] =	vst v0  }
0xde: {  	[tilespmem:$0xDB8] =	vst v0  }
0xdf: {  	[tilespmem:$0xDC8] =	vst v0  }
0xe0: {  	[tilespmem:$0xDD8] =	vst v0  }
0xe1: {  	[tilespmem:$0xDE8] =	vst v0  }
0xe2: {  	[tilespmem:$0xDF8] =	vst v0  }
0xe3: {  	[tilespmem:$0xE08] =	vst v0  }
0xe4: {  	[tilespmem:$0xE18] =	vst v0  }
0xe5: {  	[tilespmem:$0xE28] =	vst v0  }
0xe6: {  	[tilespmem:$0xE38] =	vst v0  }
0xe7: {  	[tilespmem:$0xE48] =	vst v0  }
0xe8: {  	[tilespmem:$0xE58] =	vst v0  }
0xe9: {  	[tilespmem:$0xE68] =	vst v0  }
0xea: {  	[tilespmem:$0xE78] =	vst v0  }
0xeb: {  	[tilespmem:$0xE88] =	vst v0  }
0xec: {  	[tilespmem:$0xE98] =	vst v0  }
0xed: {  	[tilespmem:$0xEA8] =	vst v0  }
0xee: {  	[tilespmem:$0xEB8] =	vst v0  }
0xef: {  	[tilespmem:$0xEC8] =	vst v0  }
0xf0: {  	[tilespmem:$0xED8] =	vst v0  }
0xf1: {  	[tilespmem:$0xEE8] =	vst v0  }
0xf2: {  	[tilespmem:$0xEF8] =	vst v0  }
0xf3: {  	[tilespmem:$0xF08] =	vst v0  }
0xf4: {  	[tilespmem:$0xF18] =	vst v0  }
0xf5: {  	[tilespmem:$0xF28] =	vst v0  }
0xf6: {  	[tilespmem:$0xF38] =	vst v0  }
0xf7: {  	[tilespmem:$0xF48] =	vst v0  }
0xf8: {  	[tilespmem:$0xF58] =	vst v0  }
0xf9: {  	[tilespmem:$0xF68] =	vst v0  }
0xfa: {  	[tilespmem:$0xF78] =	vst v0  }
0xfb: {  	[tilespmem:$0xF88] =	vst v0  }
0xfc: {  	[tilespmem:$0xF98] =	vst v0  }
0xfd: {  	[tilespmem:$0xFA8] =	vst v0  }
0xfe: {  	[tilespmem:$0xFB8] =	vst v0  }
0xff: {  	[tilespmem:$0xFC8] =	vst v0  }
0x100: {  	[tilespmem:$0xFD8] =	vst v0  }
0x101: {  	[tilespmem:$0xFE8] =	vst v0  }
0x102: {  	[tilespmem:$0xFF8] =	vst v0  }
0x103: {  	[tilespmem:$0x1028] =	vst v0  }
0x104: {  	[tilespmem:$0x10E8] =	vst v0  }
0x105: {  	[tilespmem:$0x1068] =	vst v0  }
0x106: {  	[tilespmem:$0x1058] =	vst v0  }
0x107: {  	[tilespmem:$0x1B28] =	vst v0  }
0x108: {  	[tilespmem:$0x1B18] =	vst v0  }
0x109: {  	[tilespmem:$0x1B08] =	vst v0  }
0x10a: {  	[tilespmem:$0x1AF8] =	vst v0  }
0x10b: {  	[tilespmem:$0x1AE8] =	vst v0  }
0x10c: {  	[tilespmem:$0x1AD8] =	vst v0  }
0x10d: {  	[tilespmem:$0x1AC8] =	vst v0  }
0x10e: {  	[tilespmem:$0x1AB8] =	vst v0  }
0x10f: {  	[tilespmem:$0x1AA8] =	vst v0  }
0x110: {  	[tilespmem:$0x1A98] =	vst v0  }
0x111: {  	[tilespmem:$0x1A88] =	vst v0  }
0x112: {  	[tilespmem:$0x1A78] =	vst v0  }
0x113: {  	[tilespmem:$0x1A68] =	vst v0  }
0x114: {  	[tilespmem:$0x1A58] =	vst v0  }
0x115: {  	[tilespmem:$0x1A48] =	vst v0  }
0x116: {  	[tilespmem:$0x1A38] =	vst v0  }
0x117: {  	[tilespmem:$0x1A28] =	vst v0  }
0x118: {  	[tilespmem:$0x1A18] =	vst v0  }
0x119: {  	[tilespmem:$0x1A08] =	vst v0  }
0x11a: {  	[tilespmem:$0x19F8] =	vst v0  }
0x11b: {  	[tilespmem:$0x19E8] =	vst v0  }
0x11c: {  	[tilespmem:$0x19D8] =	vst v0  }
0x11d: {  	[tilespmem:$0x19C8] =	vst v0  }
0x11e: {  	[tilespmem:$0x19B8] =	vst v0  }
0x11f: {  	[tilespmem:$0x19A8] =	vst v0  }
0x120: {  	[tilespmem:$0x1998] =	vst v0  }
0x121: {  	[tilespmem:$0x1988] =	vst v0  }
0x122: {  	[tilespmem:$0x1978] =	vst v0  }
0x123: {  	[tilespmem:$0x1968] =	vst v0  }
0x124: {  	[tilespmem:$0x1958] =	vst v0  }
0x125: {  	[tilespmem:$0x1948] =	vst v0  }
0x126: {  	[tilespmem:$0x1938] =	vst v0  }
0x127: {  	[tilespmem:$0x1928] =	vst v0  }
0x128: {  	[tilespmem:$0x1918] =	vst v0  }
0x129: {  	[tilespmem:$0x1908] =	vst v0  }
0x12a: {  	[tilespmem:$0x18F8] =	vst v0  }
0x12b: {  	[tilespmem:$0x18E8] =	vst v0  }
0x12c: {  	[tilespmem:$0x18D8] =	vst v0  }
0x12d: {  	[tilespmem:$0x18C8] =	vst v0  }
0x12e: {  	[tilespmem:$0x18B8] =	vst v0  }
0x12f: {  	[tilespmem:$0x18A8] =	vst v0  }
0x130: {  	[tilespmem:$0x1898] =	vst v0  }
0x131: {  	[tilespmem:$0x1888] =	vst v0  }
0x132: {  	[tilespmem:$0x1878] =	vst v0  }
0x133: {  	[tilespmem:$0x1868] =	vst v0  }
0x134: {  	[tilespmem:$0x1858] =	vst v0  }
0x135: {  	[tilespmem:$0x1848] =	vst v0  }
0x136: {  	[tilespmem:$0x1838] =	vst v0  }
0x137: {  	[tilespmem:$0x1828] =	vst v0  }
0x138: {  	[tilespmem:$0x1818] =	vst v0  }
0x139: {  	[tilespmem:$0x1808] =	vst v0  }
0x13a: {  	[tilespmem:$0x17F8] =	vst v0  }
0x13b: {  	[tilespmem:$0x17E8] =	vst v0  }
0x13c: {  	[tilespmem:$0x17D8] =	vst v0  }
0x13d: {  	[tilespmem:$0x17C8] =	vst v0  }
0x13e: {  	[tilespmem:$0x17B8] =	vst v0  }
0x13f: {  	[tilespmem:$0x17A8] =	vst v0  }
0x140: {  	[tilespmem:$0x1798] =	vst v0  }
0x141: {  	[tilespmem:$0x1788] =	vst v0  }
0x142: {  	[tilespmem:$0x1778] =	vst v0  }
0x143: {  	[tilespmem:$0x1768] =	vst v0  }
0x144: {  	[tilespmem:$0x1758] =	vst v0  }
0x145: {  	[tilespmem:$0x1748] =	vst v0  }
0x146: {  	[tilespmem:$0x1738] =	vst v0  }
0x147: {  	[tilespmem:$0x1728] =	vst v0  }
0x148: {  	[tilespmem:$0x1718] =	vst v0  }
0x149: {  	[tilespmem:$0x1708] =	vst v0  }
0x14a: {  	[tilespmem:$0x16F8] =	vst v0  }
0x14b: {  	[tilespmem:$0x16E8] =	vst v0  }
0x14c: {  	[tilespmem:$0x16D8] =	vst v0  }
0x14d: {  	[tilespmem:$0x16C8] =	vst v0  }
0x14e: {  	[tilespmem:$0x16B8] =	vst v0  }
0x14f: {  	[tilespmem:$0x16A8] =	vst v0  }
0x150: {  	[tilespmem:$0x1698] =	vst v0  }
0x151: {  	[tilespmem:$0x1688] =	vst v0  }
0x152: {  	[tilespmem:$0x1678] =	vst v0  }
0x153: {  	[tilespmem:$0x1668] =	vst v0  }
0x154: {  	[tilespmem:$0x1658] =	vst v0  }
0x155: {  	[tilespmem:$0x1648] =	vst v0  }
0x156: {  	[tilespmem:$0x1638] =	vst v0  }
0x157: {  	[tilespmem:$0x1628] =	vst v0  }
0x158: {  	[tilespmem:$0x1618] =	vst v0  }
0x159: {  	[tilespmem:$0x1608] =	vst v0  }
0x15a: {  	[tilespmem:$0x15F8] =	vst v0  }
0x15b: {  	[tilespmem:$0x15E8] =	vst v0  }
0x15c: {  	[tilespmem:$0x15D8] =	vst v0  }
0x15d: {  	[tilespmem:$0x15C8] =	vst v0  }
0x15e: {  	[tilespmem:$0x15B8] =	vst v0  }
0x15f: {  	[tilespmem:$0x15A8] =	vst v0  }
0x160: {  	[tilespmem:$0x1598] =	vst v0  }
0x161: {  	[tilespmem:$0x1588] =	vst v0  }
0x162: {  	[tilespmem:$0x1578] =	vst v0  }
0x163: {  	[tilespmem:$0x1568] =	vst v0  }
0x164: {  	[tilespmem:$0x1558] =	vst v0  }
0x165: {  	[tilespmem:$0x1548] =	vst v0  }
0x166: {  	[tilespmem:$0x1538] =	vst v0  }
0x167: {  	[tilespmem:$0x1528] =	vst v0  }
0x168: {  	[tilespmem:$0x1518] =	vst v0  }
0x169: {  	[tilespmem:$0x1508] =	vst v0  }
0x16a: {  	[tilespmem:$0x14F8] =	vst v0  }
0x16b: {  	[tilespmem:$0x14E8] =	vst v0  }
0x16c: {  	[tilespmem:$0x14D8] =	vst v0  }
0x16d: {  	[tilespmem:$0x14C8] =	vst v0  }
0x16e: {  	[tilespmem:$0x14B8] =	vst v0  }
0x16f: {  	[tilespmem:$0x14A8] =	vst v0  }
0x170: {  	[tilespmem:$0x1498] =	vst v0  }
0x171: {  	[tilespmem:$0x1488] =	vst v0  }
0x172: {  	[tilespmem:$0x1478] =	vst v0  }
0x173: {  	[tilespmem:$0x1468] =	vst v0  }
0x174: {  	[tilespmem:$0x1458] =	vst v0  }
0x175: {  	[tilespmem:$0x1448] =	vst v0  }
0x176: {  	[tilespmem:$0x1438] =	vst v0  }
0x177: {  	[tilespmem:$0x1428] =	vst v0  }
0x178: {  	[tilespmem:$0x1418] =	vst v0  }
0x179: {  	[tilespmem:$0x1408] =	vst v0  }
0x17a: {  	[tilespmem:$0x13F8] =	vst v0  }
0x17b: {  	[tilespmem:$0x13E8] =	vst v0  }
0x17c: {  	[tilespmem:$0x13D8] =	vst v0  }
0x17d: {  	[tilespmem:$0x13C8] =	vst v0  }
0x17e: {  	[tilespmem:$0x13B8] =	vst v0  }
0x17f: {  	[tilespmem:$0x13A8] =	vst v0  }
0x180: {  	[tilespmem:$0x1398] =	vst v0  }
0x181: {  	[tilespmem:$0x1388] =	vst v0  }
0x182: {  	[tilespmem:$0x1378] =	vst v0  }
0x183: {  	[tilespmem:$0x1368] =	vst v0  }
0x184: {  	[tilespmem:$0x1358] =	vst v0  }
0x185: {  	[tilespmem:$0x1348] =	vst v0  }
0x186: {  	[tilespmem:$0x1338] =	vst v0  }
0x187: {  	[tilespmem:$0x1328] =	vst v0  }
0x188: {  	[tilespmem:$0x1318] =	vst v0  }
0x189: {  	[tilespmem:$0x1308] =	vst v0  }
0x18a: {  	[tilespmem:$0x12F8] =	vst v0  }
0x18b: {  	[tilespmem:$0x12E8] =	vst v0  }
0x18c: {  	[tilespmem:$0x12D8] =	vst v0  }
0x18d: {  	[tilespmem:$0x12C8] =	vst v0  }
0x18e: {  	[tilespmem:$0x12B8] =	vst v0  }
0x18f: {  	[tilespmem:$0x12A8] =	vst v0  }
0x190: {  	[tilespmem:$0x1298] =	vst v0  }
0x191: {  	[tilespmem:$0x1288] =	vst v0  }
0x192: {  	[tilespmem:$0x1278] =	vst v0  }
0x193: {  	[tilespmem:$0x1268] =	vst v0  }
0x194: {  	[tilespmem:$0x1258] =	vst v0  }
0x195: {  	[tilespmem:$0x1248] =	vst v0  }
0x196: {  	[tilespmem:$0x1238] =	vst v0  }
0x197: {  	[tilespmem:$0x1228] =	vst v0  }
0x198: {  	[tilespmem:$0x1218] =	vst v0  }
0x199: {  	[tilespmem:$0x1208] =	vst v0  }
0x19a: {  	[tilespmem:$0x11F8] =	vst v0  }
0x19b: {  	[tilespmem:$0x11E8] =	vst v0  }
0x19c: {  	[tilespmem:$0x11D8] =	vst v0  }
0x19d: {  	[tilespmem:$0x11C8] =	vst v0  }
0x19e: {  	[tilespmem:$0x11B8] =	vst v0  }
0x19f: {  	[tilespmem:$0x11A8] =	vst v0  }
0x1a0: {  	[tilespmem:$0x1198] =	vst v0  }
0x1a1: {  	[tilespmem:$0x1188] =	vst v0  }
0x1a2: {  	[tilespmem:$0x1178] =	vst v0  }
0x1a3: {  	[tilespmem:$0x1168] =	vst v0  }
0x1a4: {  	[tilespmem:$0x1158] =	vst v0  }
0x1a5: {  	[tilespmem:$0x1148] =	vst v0  }
0x1a6: {  	[tilespmem:$0x1138] =	vst v0  }
0x1a7: {  	s4 =	stileid.u32;
	[tilespmem:$0x1128] =	vst v0  }
0x1a8: {  	s0 =	smul.u32 $0x17, s4;
	[tilespmem:$0x1118] =	vst v0  }
0x1a9: {  	s2 =	smin.u32 s4, $0x3;
	[tilespmem:$0x1108] =	vst v0  }
0x1aa: {  	[tilespmem:$0x10F8] =	vst v0;
	s0 =	sadd.s32 s2, s0  }
0x1ab: {  	p0 =	slt.u32 s4, $0x3;
	[tilespmem:$0x10C8] =	vst v0;
	s2 =	simm.s32 $0x2880;
	s6 =	smul.u32 $0x1B0, s0  }
0x1ac: {  	s2 =	simm.s32 @!p0 $0x26D0;
	[tilespmem:$0x10D8] =	vst v0  }
0x1ad: {  	[tilespmem:$0x10B8] =	vst v0;
	s0 =	sadd.s32 s2, s6  }
0x1ae: {  	s5 =	simm.s32 $0x2;
	[tilespmem:$0x1038] =	vst v0;
	s7 =	smin.u32 s0, $0x27100  }
0x1af: {  	s8 =	simm.s32 $0x9;
	s10 =	simm.s32 $0xA;
	[tilespmem:$0x10A8] =	vst v0;
	s0 =	ssub.s32 s7, s6  }
0x1b0: {  	s30 =	simm.s32 $0xB;
	s16 =	simm.s32 $0x0;
	[tilespmem:$0x1098] =	vst v0;
	p0 =	sgt.s32 s0, $0x0  }
0x1b1: {  	p4 =	por $0x0, $0x0;
	s17 =	simm.s32 $0xC;
	[tilespmem:$0x1088] =	vst v0;
	s0 =	simm.s32 @!p0 $0x0  }
0x1b2: {  	s21 =	simm.s32 $0x0;
	s18 =	simm.s32 $0x0;
	[tilespmem:$0x1078] =	vst v0;
	s28 =	smulhi.u32 $0x4BDA12F7, s0  }
0x1b3: {  	s20 =	simm.s32 $0x0;
	s3 =	sand.u32 $0x1, s3;
	s31 =	sshll.u32 s4, $0x5;
	[tilespmem:$0x1048] =	vst v0  }
0x1b4: {  	s2 =	sshrl.u32 s28, $0x7;
	[tilespmem:$0x1018] =	vst v0;
	[dreg:$0x6] =	wrdreg s3;
	s3 =	smul.u32 $0x4E20, s3  }
0x1b5: {  	[tilespmem:$0x1008] =	vst v0;
	[sflag:s5] =	ssyncpa.u1 $0x0;
	v0 =	vimm.s32 $0xFFFFFFFF;
	[dreg:$0x5] =	wrdreg s31;
	s29 =	smul.u32 $0x1B0, s2  }
.Ltmp0:
0x1b6: {  	[tilespmem:$0x3648] =	vst v0;
	[sflag:s8] =	ssyncpa.u1 $0x0;
	s3 =	sadd.s32 s3, s11;
	(pc) =	sbr.rel .LBB2_1-.Ltmp0, $4  }
0x1b7: {  	[sflag:s10] =	ssyncpa.u1 $0x0;
	s11 =	sadd.s32 $0x51DE00, s11;
	p0 =	sne.s32 s0, s29  }
0x1b8: {  	[sflag:s30] =	ssyncpa.u1 $0x0;
	s14 =	sadd.s32 $0x14A00, s3;
	s12 =	simm.s32 @!p0 $0x0  }
0x1b9: {  	s15 =	sadd.s32 $0xE00, s3;
	s19 =	smov.u32 s6;
	s12 =	sadd.s32 s12, s2  }
0x1ba: {  	v0 =	vlaneseq.u32;
	[dreg:$0x7] =	wrdreg s6;
	p0 =	por $0x1, $0x1;
	s4 =	sadd.s32 $0x1, s12  }
.LBB2_18:
0x1bb: {  	s0 =	simm.s32 $0x2  }
0x1bc: {  	_ =	swait.ge [sflag:s0], $0x0  }
0x1bd: {  	[sflag:s0] =	ssyncset.done $0x0;
	s0 =	simm.s32 $0x0  }
.LBB2_19:
0x1be: {  	_ =	swait.ge [sflag:s17], s0  }
0x1bf: {  	s31 =	ssub.s32 $0x0, s0;
	v1 =	vmov s23;
	vm0 =	veq.s32 v0, $0x0;
	[sflag:s17] =	ssyncset.done $0x0  }
0x1c0: {  	vm15 =	veq.s32 v0, $0x2;
	v1 =	vsel vm0, s28, v1;
	[sflag:s17] =	ssyncadd.s32 s31  }
0x1c1: {  	v1 =	vsel vm15, s21, v1;
	[sflag:s17] =	ssyncpa.u1 $0x1  }
0x1c2: {  	[tilespmem:$0x3648] =	vst v1  }
.LBB2_20:
0x1c3: {  	s0 =	sadd.s32 $0x1B0, s19  }
0x1c4: {  	s2 =	smov.u32 s6;
	p1 =	slt.s32 s0, s7  }
0x1c5: {  	s2 =	smov.u32 @p1 s0;
	p1 =	sne.s32 s20, s4  }
.Ltmp1:
0x1c6: {  	_ = 	snop;
	(pc) =	sbr.rel @!p1 .LBB2_21-.Ltmp1, $4  }
0x1c7: {  	_ = 	snop  }
0x1c8: {  	s21 =	smov.u32 s18  }
0x1c9: {  	s31 =	sadd.s32 $0x1, s20;
	s18 =	smov.u32 s19;
	p0 =	por !p0, !p0  }
0x1ca: {  	p4 =	por !p4, !p4;
	s20 =	smov.u32 s31;
	s19 =	smov.u32 s2  }
.LBB2_1:
0x1cb: {  	p2 =	sge.u32 s20, s12  }
0x1cc: {  	s0 =	smulhi.u32 @!p2 $0xAAAAAAAB, s20  }
0x1cd: {  	s2 =	smov.u32 s19;
	p3 =	sgt.s32 @!p2 s19, $0x26F50  }
0x1ce: {  	s3 =	sshra.s32 @!p2 s19, $0x1F;
	p3 =	por !p3, p2;
	s0 =	sshrl.u32 @!p2 s0, $0x1  }
0x1cf: {  	s3 =	sand.u32 @!p2 s3, s19;
	s2 =	simm.s32 @p3 $0x26F50;
	s0 =	smul.u32 @!p2 $0x3, s0  }
0x1d0: {  	s2 =	ssub.s32 @!p2 s2, s3  }
0x1d1: {  	s23 =	sadd.s32 $0xFFFFFFFF, s20;
	s2 =	sadd.s32 @!p2 $0xFFFD90B0, s2;
	s0 =	ssub.s32 @!p2 s20, s0  }
0x1d2: {  	s3 =	sshll.u32 @!p2 s2, $0x2;
	p3 =	sgt.s32 @!p2 s2, $0x1AF;
	s0 =	smul.u32 @!p2 $0x6C0, s0  }
0x1d3: {  	s5 =	sand.u32 @!p2 $0x7, s19;
	s2 =	ssub.s32 @!p2 $0x6C0, s3;
	p3 =	por !p3, p2  }
0x1d4: {  	s3 =	sshrl.u32 @!p2 s19, $0x3;
	s2 =	sshrl.u32 @!p2 s2, $0x2;
	s0 =	sshrl.u32 @!p2 s0, $0x2  }
0x1d5: {  	s3 =	sadd.s32 @!p2 s3, s14;
	s2 =	simm.s32 @!p3 $0x0;
	s0 =	sadd.s32 @!p2 $0x3888, s0  }
0x1d6: {  	[tilespmem:s0], [sflag:$0xA] =	stream.linear.gather @!p2 [hbm4b:s3+s5], s2, $0x38;
	[tilespmem:$0x1F0F8] =	vst v63  }
0x1d7: {  	p2 =	sge.u32 s23, s12  }
0x1d8: {  	p3 =	sgt.s32 @!p2 s18, $0x26F50  }
0x1d9: {  	s0 =	smov.u32 s18;
	s2 =	sshra.s32 @!p2 s18, $0x1F;
	p3 =	por !p3, p2  }
0x1da: {  	s2 =	sand.u32 @!p2 s2, s18;
	s0 =	simm.s32 @p3 $0x26F50  }
0x1db: {  	s0 =	ssub.s32 @!p2 s0, s2  }
0x1dc: {  	s0 =	sadd.s32 @!p2 $0xFFFD90B0, s0  }
0x1dd: {  	s2 =	sshll.u32 @!p2 s0, $0x2  }
0x1de: {  	p3 =	sgt.s32 @!p2 s0, $0x1AF;
	s0 =	ssub.s32 @!p2 $0x6C0, s2  }
0x1df: {  	s22 =	ssub.s32 @!p2 $0x27100, s18;
	p3 =	por !p3, p2;
	s0 =	sshrl.u32 @!p2 s0, $0x2  }
0x1e0: {  	s2 =	sand.u32 @!p2 $0x1, s23;
	s0 =	simm.s32 @!p3 $0x0;
	p3 =	slt.s32 @!p2 s22, $0x1  }
0x1e1: {  	s3 =	simm.s32 @!p2 $0xA;
	s2 =	smul.u32 @!p2 $0x6C0, s2;
	p3 =	por p2, p3  }
.Ltmp2:
0x1e2: {  	_ =	swait.ge @!p2 [sflag:s3], s0;
	(pc) =	sbr.rel @p3 .LBB2_7-.Ltmp2, $4  }
0x1e3: {  	s5 =	ssub.s32 @!p2 $0x0, s0;
	[sflag:s3] =	ssyncset.done @!p2 $0x0  }
0x1e4: {  	s2 =	sshrl.u32 @!p2 s2, $0x2;
	[sflag:s3] =	ssyncadd.s32 @!p2 s5;
	s3 =	sshrl.u32 @!p2 s18, $0x3  }
0x1e5: {  	s2 =	sadd.s32 @!p2 $0x3D98, s2;
	s5 =	sand.u32 @!p2 $0x7, s18;
	s3 =	sadd.s32 @!p2 s3, s15  }
0x1e6: {  	[tilespmem:s2], [sflag:$0xB] =	stream.linear.gather @!p2 [hbm4b:s3+s5], s0, $0x38;
	[tilespmem:$0x1F0F8] =	vst v63  }
0x1e7: {  	s0 =	smulhi.u32 $0xAAAAAAAB, s23;
	_ =	sdelay $0x1  }
0x1e8: {  	s0 =	sshrl.u32 s0, $0x1  }
0x1e9: {  	s0 =	smul.u32 $0x3, s0;
	_ =	sdelay $0x1  }
0x1ea: {  	s0 =	ssub.s32 s23, s0  }
0x1eb: {  	s2 =	simm.s32 $0x1;
	s0 =	smul.u32 $0x6C0, s0  }
.Ltmp3:
0x1ec: {  	s2 =	simm.s32 @!p0 $0x0;
	(pc) =	sbr.rel .LBB2_4-.Ltmp3, $4  }
0x1ed: {  	s2 =	smul.u32 $0x36000, s2  }
0x1ee: {  	p3 =	slt.s32 @!p2 s22, $0x1B0;
	s0 =	sshrl.u32 s0, $0x2  }
0x1ef: {  	p2 =	por !p3, p2;
	s2 =	sshrl.u32 s2, $0x2;
	s0 =	sadd.s32 $0x3888, s0  }
0x1f0: {  	s24 =	simm.s32 $0x0;
	s22 =	simm.s32 @p2 $0x1B0;
	s23 =	sadd.s32 $0x40F8, s2;
	v1 =	vmov s0  }
.LBB2_3:
0x1f1: {  	p2 =	sge.s32 s24, s22  }
.Ltmp4:
0x1f2: {  	_ = 	snop;
	(pc) =	sbr.rel @p2 .LBB2_7-.Ltmp4, $2  }
0x1f3: {  	_ =	sdelay $0x2  }
0x1f4: {  	s23 =	sadd.s32 $0x800, s23  }
.LBB2_4:
0x1f5: {  	p2 =	sle.s32 s22, s24  }
.Ltmp5:
0x1f6: {  	_ = 	snop;
	(pc) =	sbr.rel @p2 .LBB2_3-.Ltmp5, $2  }
0x1f7: {  	_ =	sdelay $0x2  }
0x1f8: {  	s0 =	smov.u32 s24;
	s24 =	sadd.s32 $0x10, s24  }
0x1f9: {  	s2 =	ssub.s32 s22, s0  }
0x1fa: {  	p2 =	slt.s32 s2, $0x10  }
0x1fb: {  	s2 =	simm.s32 @!p2 $0x10  }
0x1fc: {  	v2 =	vmov s2  }
0x1fd: {  	vm0 =	vgt.s32 v2, v0;
	_ =	sdelay $0x5  }
0x1fe: {  	v2 =	vld.idx.msk [tilespmem:v1+s0+$0x0 ss:$0x1], vm0;
	_ =	sdelay $0x2  }
0x1ff: {  	p2 =	slt.s32 s24, s22;
	s2 =	smov.u32 s22  }
0x200: {  	s3 =	smov.u32 s23;
	s25 =	simm.s32 $0x0;
	s2 =	smov.u32 @p2 s24  }
.LBB2_6:
0x201: {  	(v2sf) =	vpush v2, s25;
	_ =	sdelay $0xc  }
0x202: {  	s25 =	sadd.s32 $0x1, s25  }
0x203: {  	s31 =	sadd.s32 s25, s0  }
0x204: {  	p2 =	slt.s32 s31, s2;
	s5 =	spop (v2sf)  }
.Ltmp6:
0x205: {  	s5 =	sshll.u32 s5, $0x4;
	(pc) =	sbr.rel @p2 .LBB2_6-.Ltmp6, $4  }
0x206: {  	s5 =	sand.u32 $0x1FFFFFF0, s5  }
0x207: {  	s5 =	sadd.s32 s11, s5  }
0x208: {  	[tilespmem:s3], [sflag:$0x9] =	stream.linear.gather [hbm4b:s5+s16], $0x8, $0x38;
	[tilespmem:$0x1F0F8] =	vst v63  }
0x209: {  	s3 =	sadd.s32 $0x80, s3  }
.Ltmp7:
0x20a: {  	_ = 	snop;
	(pc) =	sbr.rel .LBB2_3-.Ltmp7, $1  }
0x20b: {  	_ =	sdelay $0x3  }
.LBB2_7:
0x20c: {  	p2 =	slt.u32 s20, $0x2  }
.Ltmp8:
0x20d: {  	_ = 	snop;
	(pc) =	sbr.rel @p2 .LBB2_20-.Ltmp8, $1  }
0x20e: {  	_ =	sdelay $0x3  }
0x20f: {  	p2 =	sgt.s32 s21, $0x26F50  }
0x210: {  	s0 =	smov.u32 s21;
	s2 =	sshra.s32 s21, $0x1F;
	s3 =	ssub.s32 $0x27100, s21  }
0x211: {  	s0 =	simm.s32 @!p2 $0x26F50;
	s2 =	sand.u32 s2, s21;
	p2 =	slt.s32 s3, $0x1B0  }
0x212: {  	s0 =	ssub.s32 s0, s2;
	s3 =	simm.s32 @!p2 $0x1B0  }
0x213: {  	s0 =	sadd.s32 $0xFFFD90B0, s0;
	s24 =	sshll.u32 s3, $0x3  }
0x214: {  	s28 =	simm.s32 $0x9;
	s25 =	sshll.u32 s0, $0x2;
	s2 =	sand.u32 $0x3FFFFFF8, s24  }
0x215: {  	p2 =	sgt.s32 s0, $0x1AF;
	s26 =	ssub.s32 $0x6C0, s25;
	_ =	swait.ge [sflag:s28], s2  }
0x216: {  	s2 =	ssub.s32 $0x0, s2;
	[sflag:s28] =	ssyncset.done $0x0;
	s0 =	sshrl.u32 s26, $0x2  }
0x217: {  	s30 =	simm.s32 $0xB;
	[sflag:s28] =	ssyncadd.s32 s2;
	s0 =	simm.s32 @p2 $0x0  }
0x218: {  	_ =	swait.ge [sflag:s30], s0  }
0x219: {  	s0 =	ssub.s32 $0x0, s0;
	[sflag:s30] =	ssyncset.done $0x0  }
0x21a: {  	[sflag:s30] =	ssyncadd.s32 s0  }
0x21b: {  	v1 =	vld [tilespmem:$0x3648];
	_ =	sdelay $0x4  }
0x21c: {  	(v2sf) =	vpush v1, $0x0  }
0x21d: {  	(v2sf) =	vpush v1, $0x1  }
0x21e: {  	(v2sf) =	vpush v1, $0x2;
	_ =	sdelay $0x3  }
0x21f: {  	s0 =	sadd.s32 $0x1B0, s21  }
0x220: {  	s2 =	ssub.s32 $0x4E200, s21;
	p2 =	slt.s32 s7, s0  }
0x221: {  	s0 =	smov.u32 @p2 s7;
	p2 =	sgt.s32 s2, $0x0  }
0x222: {  	s25 =	ssub.s32 s0, s21;
	s2 =	simm.s32 @!p2 $0x0  }
0x223: {  	p2 =	slt.s32 s2, s25  }
0x224: {  	s25 =	smov.u32 @p2 s2  }
0x225: {  	s24 =	simm.s32 $0x1;
	p2 =	slt.s32 s25, $0x1  }
.Ltmp9:
0x226: {  	s24 =	simm.s32 @!p4 $0x0;
	(pc) =	sbr.rel @p2 .LBB2_12-.Ltmp9, $4  }
0x227: {  	s31 =	smul.u32 $0x6C0, s24  }
0x228: {  	s26 =	spop (v2sf)  }
0x229: {  	s0 =	sshrl.u32 s31, $0x2;
	s29 =	spop (v2sf)  }
0x22a: {  	s22 =	sadd.s32 $0x3D98, s0;
	s21 =	spop (v2sf)  }
0x22b: {  	s0 =	smin.u32 s25, $0x10  }
0x22c: {  	v1 =	vmov s0  }
0x22d: {  	p3 =	sgt.s32 s25, $0x10;
	vm1 =	vgt.u32 v1, v0  }
.Ltmp10:
0x22e: {  	_ = 	snop;
	(pc) =	sbr.rel @!p3 .LBB2_11-.Ltmp10, $2  }
0x22f: {  	_ =	sdelay $0x2  }
0x230: {  	s23 =	simm.s32 $0x10;
	s28 =	sadd.s32 $0xFFFFFFF0, s25;
	s0 =	smov.u32 s22;
	vm0 =	vmmov vm1  }
.LBB2_10:
0x231: {  	s2 =	smin.u32 s28, $0x10;
	s23 =	sadd.s32 $0x10, s23;
	v1 =	vld.msk [tilespmem:s0+$0x0 ss:$0x1], vm1  }
0x232: {  	v2 =	vmov s2;
	p3 =	slt.s32 s23, s25  }
0x233: {  	vm1 =	vgt.u32 v2, v0  }
.Ltmp11:
0x234: {  	(pc) =	sbr.rel @p3 .LBB2_10-.Ltmp11, $3  }
0x235: {  	_ =	sdelay $0x1  }
0x236: {  	v1 =	vshll.u32 v1, $0x4  }
0x237: {  	s28 =	sadd.s32 $0xFFFFFFF0, s28;
	[tilespmem:s0+$0x0] =	vst.msk vm0, v1;
	s0 =	sadd.s32 $0x10, s0;
	vm0 =	vmmov vm1  }
.LBB2_11:
0x238: {  	_ =	sdelay $0x4  }
0x239: {  	v1 =	vld.msk [tilespmem:s0+$0x0 ss:$0x1], vm1;
	_ =	sdelay $0x4  }
0x23a: {  	v1 =	vshll.u32 v1, $0x4  }
0x23b: {  	[tilespmem:s0+$0x0] =	vst.msk vm0, v1  }
.LBB2_12:
0x23c: {  	s0 =	sand.u32 $0x1, s20  }
0x23d: {  	s0 =	smul.u32 $0x1B0, s0  }
0x23e: {  	p3 =	sne.s32 s29, $0xFFFFFFFF  }
0x23f: {  	v1 =	vld.msk @!p3 [tilespmem:s0+$0x3D98], $0x1;
	_ =	sdelay $0x4  }
0x240: {  	(v2sf) =	vpush @!p3 v1, $0x0;
	_ =	sdelay $0xc  }
.Ltmp12:
0x241: {  	_ = 	snop;
	(pc) =	sbr.rel @p2 .LBB2_18-.Ltmp12, $4  }
0x242: {  	_ = 	snop  }
0x243: {  	s28 =	spop @!p3 (v2sf)  }
0x244: {  	s21 =	simm.s32 @!p3 $0x0;
	s23 =	smov.u32 s28  }
0x245: {  	[sflag:s17] =	ssyncpa.u1 $0x0;
	s28 =	smov.u32 @p3 s26;
	s23 =	smov.u32 @p3 s29  }
0x246: {  	v1 =	vld.msk [tilespmem:s22+$0x0], $0x1;
	_ =	sdelay $0x4  }
0x247: {  	(v2sf) =	vpush v1, $0x0;
	_ =	sdelay $0xe  }
0x248: {  	s0 =	simm.s32 @!p4 $0x0;
	s26 =	smul.u32 $0x36000, s24;
	s31 =	spop (v2sf)  }
0x249: {  	s29 =	ssub.s32 $0x0, s25;
	s0 =	simm.s32 @p4 $0x1;
	p2 =	seq.s32 s28, s31  }
0x24a: {  	s2 =	smov.u32 s28;
	[smem:$0x7FD] =	sst s0;
	p3 =	sgt.s32 @!p2 s28, $0x0  }
0x24b: {  	s0 =	sshrl.u32 s26, $0x2;
	s26 =	sadd.s32 $0x1, s29;
	p3 =	por !p3, p2  }
0x24c: {  	s2 =	simm.s32 @p3 $0x0;
	p3 =	seq.s32 s26, $0x0  }
.Ltmp13:
0x24d: {  	_ = 	snop;
	(pc) =	sbr.rel @p3 .LBB2_15-.Ltmp13, $4  }
0x24e: {  	s6 =	smov.u32 s4;
	s25 =	simm.s32 $0x0  }
0x24f: {  	s24 =	sadd.s32 $0x40F8, s0;
	s0 =	simm.s32 @!p2 $0x1;
	s3 =	smin.u32 @!p2 s2, $0x270FF  }
0x250: {  	s30 =	sadd.s32 $0x1, s22;
	s0 =	smov.u32 @p2 s25;
	s5 =	sand.u32 @!p2 $0x3FFF8, s3  }
0x251: {  	s2 =	simm.s32 @!p2 $0x1B38;
	s3 =	sand.u32 @!p2 $0x7, s3;
	s5 =	sadd.s32 @!p2 s1, s5  }
.LBB2_14:
0x252: {  	s4 =	smov.u32 s0  }
0x253: {  	[tilespmem:s2], [sflag:$0x2] =	stream.linear.gather @!p2 [hbm4b:s5+s3], $0x8, $0x38;
	[tilespmem:$0x1F0F8] =	vst v63  }
0x254: {  	s26 =	sadd.s32 $0x1, s26;
	s3 =	smov.u32 s31;
	v1 =	vld.msk [tilespmem:s30+$0x0], $0x1  }
0x255: {  	p3 =	seq.s32 s26, $0x0;
	_ =	sdelay $0x3  }
0x256: {  	(v2sf) =	vpush v1, $0x0;
	_ =	sdelay $0xe  }
0x257: {  	s31 =	spop (v2sf)  }
0x258: {  	p2 =	seq.s32 s3, s31  }
0x259: {  	p4 =	sgt.s32 @!p2 s3, $0x0;
	s2 =	sshll.u32 @!p2 s0, $0x6;
	s0 =	sadd.s32 @!p2 $0x1, s0  }
.Ltmp14:
0x25a: {  	p4 =	por !p4, p2;
	s2 =	sshra.s32 @!p2 s2, $0x2;
	(pc) =	sbr.rel @!p3 .LBB2_14-.Ltmp14, $4  }
0x25b: {  	s0 =	smov.u32 @p2 s4;
	s3 =	simm.s32 @p4 $0x0;
	s2 =	sadd.s32 @!p2 $0x1B38, s2  }
0x25c: {  	s3 =	smin.u32 @!p2 s3, $0x270FF  }
0x25d: {  	s4 =	sand.u32 @!p2 $0x3FFF8, s3;
	s3 =	sand.u32 @!p2 $0x7, s3  }
0x25e: {  	s30 =	sadd.s32 $0x1, s30;
	s5 =	sadd.s32 @!p2 s1, s4  }
.LBB2_15:
0x25f: {  	[tilespmem:s2], [sflag:$0x2] =	stream.linear.gather @!p2 [hbm4b:s5+s3], $0x8, $0x38;
	[tilespmem:$0x1F0F8] =	vst v63  }
0x260: {  	s0 =	sshll.u32 s0, $0x3  }
0x261: {  	s31 =	simm.s32 $0x2;
	s0 =	sand.u32 $0x3FFFFFF8, s0  }
0x262: {  	_ =	swait.ge [sflag:s31], s0  }
0x263: {  	s0 =	ssub.s32 $0x0, s0;
	[sflag:s31] =	ssyncset.done $0x0  }
0x264: {  	[sflag:s31] =	ssyncadd.s32 s0  }
0x265: {  	v1 =	vld.msk [tilespmem:s22+$0x0], $0x1;
	_ =	sdelay $0x4  }
0x266: {  	(v2sf) =	vpush v1, $0x0;
	_ =	sdelay $0xe  }
0x267: {  	s26 =	spop (v2sf)  }
0x268: {  	p2 =	sne.s32 s28, s26  }
0x269: {  	p4 =	sne.s32 @p2 s28, s23  }
0x26a: {  	p3 =	por !p4, !p2  }
0x26b: {  	s0 =	simm.s32 @!p3 $0x0  }
0x26c: {  	v1 =	vld.msk @!p3 [tilespmem:s0+$0x1B38], $0xff  }
0x26d: {  	p5 =	sgt.u32 @!p3 s28, $0x270FF  }
0x26e: {  	s2 =	sshll.u32 @!p3 s21, $0x6;
	p6 =	por @p2 p5, !p4  }
0x26f: {  	s2 =	sshra.s32 @!p3 s2, $0x2;
	p1 =	por p6, !p2;
	p6 =	por p4, !p2  }
0x270: {  	s3 =	sadd.s32 @!p3 $0x28, s2;
	s4 =	sand.u32 @!p1 $0x3FFF8, s28;
	s5 =	sshll.u32 @!p6 s21, $0x6  }
0x271: {  	s28 =	sand.u32 @!p1 $0x7, s28;
	[tilespmem:s2+$0x28] =	vst.add.f32.msk @!p3 $0xff, v1;
	s2 =	sadd.s32 @!p1 s1, s4;
	s4 =	sshra.s32 @!p6 s5, $0x2  }
0x272: {  	[hbm4b:s2+s28] =	stream.linear.scatter @!p1 [tilespmem:s3], [sflag:$0xC], $0x8, $0x38;
	[tilespmem:$0x1F0F8] =	vst v63  }
0x273: {  	s0 =	rddreg [dreg:$0x5];
	s2 =	sadd.s32 @!p6 $0x28, s4;
	s3 =	simm.s32 @!p6 $0x1  }
0x274: {  	[spmem:s0] =	stream.linear.scatter @!p6 [tilespmem:s2], [sflag:$0x1], $0x8, $0x38;
	[tilespmem:$0x1F0F8] =	vst v63  }
0x275: {  	s0 =	sadd.s32 @p2 $0x1, s21;
	_ =	swait.ge @!p6 [sflag:s3], $0x8  }
0x276: {  	s2 =	sshrl.u32 @p2 s0, $0x4;
	[sflag:s3] =	ssyncset.done @!p6 $0x0  }
0x277: {  	s2 =	smulhi.u32 @p2 $0x97B425F, s2;
	[sflag:s3] =	ssyncadd.s32 @!p6 $0xFFFFFFF8  }
0x278: {  	s28 =	sadd.s32 $0x1, s29;
	v1 =	vld.msk @p2 [tilespmem:s24+$0x0], $0xff  }
0x279: {  	p1 =	por @p2 !p5, !p4;
	p4 =	seq.s32 s28, $0x0;
	s2 =	smul.u32 @p2 $0x1B0, s2  }
.Ltmp15:
0x27a: {  	p1 =	por !p1, !p2;
	s3 =	simm.s32 @!p3 $0x0;
	(pc) =	sbr.rel @p4 .LBB2_17-.Ltmp15, $4  }
0x27b: {  	s4 =	sshll.u32 @!p2 s21, $0x6;
	s3 =	simm.s32 @!p1 $0x20;
	s0 =	ssub.s32 @p2 s0, s2  }
0x27c: {  	s29 =	simm.s32 $0x0;
	s3 =	sadd.s32 @!p3 $0x0, s3;
	s5 =	sshll.u32 @p2 s0, $0x4  }
0x27d: {  	s30 =	sshra.s32 @!p2 s4, $0x2;
	s2 =	simm.s32 @p2 $0x1;
	s3 =	smov.u32 @p3 s25;
	[tilespmem:s5+$0x28] =	vst.msk @p2 $0xff, v1  }
0x27e: {  	s21 =	smov.u32 @p2 s0;
	s29 =	smov.u32 @p2 s3;
	s25 =	smov.u32 @p2 s2;
	v1 =	vld.msk @!p2 [tilespmem:s24+$0x0], $0xff  }
.LBB2_16:
0x27f: {  	_ =	sdelay $0x3  }
0x280: {  	s22 =	sadd.s32 $0x1, s22;
	[tilespmem:s30+$0x28] =	vst.add.f32.msk @!p2 $0xff, v1  }
0x281: {  	v1 =	vld.msk [tilespmem:s22+$0x0], $0x1;
	_ =	sdelay $0x4  }
0x282: {  	(v2sf) =	vpush v1, $0x0;
	_ =	sdelay $0xe  }
0x283: {  	s0 =	smov.u32 s26;
	s26 =	spop (v2sf)  }
0x284: {  	p2 =	sne.s32 s0, s26  }
0x285: {  	p5 =	sne.s32 @p2 s0, s23  }
0x286: {  	s4 =	sshll.u32 @!p2 s21, $0x6;
	p4 =	por !p5, !p2  }
0x287: {  	s30 =	sshra.s32 @!p2 s4, $0x2;
	s4 =	sshll.u32 @!p4 s25, $0x6  }
0x288: {  	s4 =	sshra.s32 @!p4 s4, $0x2  }
0x289: {  	p1 =	sgt.u32 @!p4 s0, $0x270FF;
	v1 =	vld.msk @!p4 [tilespmem:s4+$0x1B38], $0xff  }
0x28a: {  	s31 =	sshll.u32 @!p4 s21, $0x6;
	p6 =	por @p2 p1, !p5;
	p1 =	por @p2 !p1, !p5  }
0x28b: {  	s8 =	simm.s32 @!p4 $0x0;
	s31 =	sshra.s32 @!p4 s31, $0x2;
	p1 =	por !p1, !p2  }
0x28c: {  	p5 =	por p5, !p2;
	s8 =	simm.s32 @!p1 $0x20;
	p1 =	por p6, !p2  }
0x28d: {  	s4 =	sadd.s32 @!p4 $0x28, s31;
	s13 =	sshll.u32 @!p5 s21, $0x6;
	s10 =	sand.u32 @!p1 $0x3FFF8, s0  }
0x28e: {  	s13 =	sshra.s32 @!p5 s13, $0x2;
	s0 =	sand.u32 @!p1 $0x7, s0;
	s10 =	sadd.s32 @!p1 s1, s10;
	[tilespmem:s31+$0x28] =	vst.add.f32.msk @!p4 $0xff, v1  }
0x28f: {  	[hbm4b:s10+s0] =	stream.linear.scatter @!p1 [tilespmem:s4], [sflag:$0xC], $0x8, $0x38;
	[tilespmem:$0x1F0F8] =	vst v63  }
0x290: {  	s2 =	rddreg [dreg:$0x5];
	s0 =	sadd.s32 @!p5 $0x28, s13;
	s4 =	simm.s32 @!p5 $0x1  }
0x291: {  	[spmem:s2] =	stream.linear.scatter @!p5 [tilespmem:s0], [sflag:$0x1], $0x8, $0x38;
	[tilespmem:$0x1F0F8] =	vst v63  }
0x292: {  	s3 =	sadd.s32 @p2 $0x1, s21;
	_ =	swait.ge @!p5 [sflag:s4], $0x8  }
0x293: {  	s5 =	sshrl.u32 @p2 s3, $0x4;
	[sflag:s4] =	ssyncset.done @!p5 $0x0  }
0x294: {  	s24 =	sadd.s32 $0x80, s24;
	s5 =	smulhi.u32 @p2 $0x97B425F, s5;
	[sflag:s4] =	ssyncadd.s32 @!p5 $0xFFFFFFF8  }
0x295: {  	s28 =	sadd.s32 $0x1, s28;
	v1 =	vld.msk @p2 [tilespmem:s24+$0x0], $0xff  }
0x296: {  	p3 =	seq.s32 s28, $0x0;
	s5 =	smul.u32 @p2 $0x1B0, s5  }
.Ltmp16:
0x297: {  	_ = 	snop;
	(pc) =	sbr.rel @!p3 .LBB2_16-.Ltmp16, $4  }
0x298: {  	s3 =	ssub.s32 @p2 s3, s5  }
0x299: {  	s8 =	sadd.s32 @!p4 s8, s29;
	s5 =	sshll.u32 @p2 s3, $0x4  }
0x29a: {  	s9 =	sadd.s32 @p2 $0x1, s25;
	s8 =	smov.u32 @p4 s29;
	[tilespmem:s5+$0x28] =	vst.msk @p2 $0xff, v1  }
0x29b: {  	s25 =	smov.u32 @p2 s9;
	s21 =	smov.u32 @p2 s3;
	s29 =	smov.u32 @p2 s8;
	v1 =	vld.msk @!p2 [tilespmem:s24+$0x0], $0xff  }
.LBB2_17:
.Ltmp17:
0x29c: {  	_ = 	snop;
	(pc) =	sbr.rel .LBB2_19-.Ltmp17, $3  }
0x29d: {  	s2 =	sld [smem:$0x7FD];
	_ =	sdelay $0x1  }
0x29e: {  	s0 =	sshrl.u32 s29, $0x2;
	s28 =	smov.u32 s26  }
0x29f: {  	s4 =	smov.u32 s6;
	s6 =	rddreg [dreg:$0x7];
	p4 =	seq.s32 s2, $0x1;
	[tilespmem:s30+$0x28] =	vst.add.f32.msk @!p2 $0xff, v1  }
.LBB2_21:
0x2a0: {  	_ =	sfence.sel $0x180000  }
0x2a1: {  	s0 =	simm.s32 $0x9;
	[bflag:$0x0] =	sbarrier.arrive $0xFFFF  }
0x2a2: {  	s24 =	simm.s32 $0xA;
	[sflag:s0] =	ssyncpa.u1 $0x1  }
0x2a3: {  	s25 =	simm.s32 $0xB;
	[sflag:s24] =	ssyncpa.u1 $0x1  }
0x2a4: {  	s26 =	simm.s32 $0x2;
	[sflag:s25] =	ssyncpa.u1 $0x1  }
0x2a5: {  	[sflag:s26] =	ssyncpa.u1 $0x1  }
0x2a6: {  	v0 =	vld [tilespmem:$0x3648];
	_ =	sdelay $0x4  }
0x2a7: {  	(v2sf) =	vpush v0, $0x0  }
0x2a8: {  	(v2sf) =	vpush v0, $0x1;
	_ =	sdelay $0x1  }
0x2a9: {  	(v2sf) =	vpush v0, $0x2;
	_ =	sdelay $0xb  }
0x2aa: {  	s0 =	spop (v2sf)  }
0x2ab: {  	s2 =	spop (v2sf)  }
0x2ac: {  	s3 =	smov.u32 s0;
	p0 =	sne.s32 s0, s2  }
0x2ad: {  	s4 =	spop (v2sf);
	s3 =	simm.s32 @!p0 $0xFFFFFFFF  }
0x2ae: {  	v2 =	vimm.s32 $0x1;
	v3 =	vlaneseq.u32;
	p0 =	seq.s32 s4, $0xFFFFFFFF;
	v1 =	vmov s3  }
0x2af: {  	s16 =	stileid.u32;
	v0 =	vperm.xlane v0, v2;
	p1 =	sne.s32 @!p0 s0, s2;
	v1 =	vperm.xlane v1, v3  }
0x2b0: {  	vm0 =	vcmask $0x3F04;
	s6 =	simm.s32 $0x3648;
	s0 =	simm.s32 @!p0 $0x1;
	p1 =	por !p1, p0  }
0x2b1: {  	s3 =	sshll.u32 s16, $0x1;
	s2 =	sshll.u32 @!p0 s4, $0x6;
	s0 =	simm.s32 @p1 $0x0;
	v0 =	vsel vm0, v1, v0  }
0x2b2: {  	s5 =	sor.u32 $0x200, s3;
	s2 =	sshra.s32 @!p0 s2, $0x2;
	s0 =	sor.u32 @!p0 s0, s3;
	[tilespmem:$0x3648] =	vst v0  }
0x2b3: {  	[spmem:s5] =	stream.linear.scatter [tilespmem:s6], [sflag:$0x1], $0x2, $0x38;
	[tilespmem:$0x1F0F8] =	vst v63  }
0x2b4: {  	s2 =	sadd.s32 @!p0 $0x28, s2;
	s0 =	sshll.u32 @!p0 s0, $0x4  }
0x2b5: {  	[spmem:s0] =	stream.linear.scatter @!p0 [tilespmem:s2], [sflag:$0x1], $0x10, $0x38;
	[tilespmem:$0x1F0F8] =	vst v63  }
0x2b6: {  	s0 =	simm.s32 @!p0 $0x12  }
0x2b7: {  	s28 =	simm.s32 $0x1;
	s0 =	simm.s32 @p0 $0x2  }
0x2b8: {  	_ =	swait.ge [sflag:s28], s0  }
0x2b9: {  	s0 =	ssub.s32 $0x0, s0;
	[sflag:s28] =	ssyncset.done $0x0  }
0x2ba: {  	p0 =	sne.s32 s16, $0x0;
	[sflag:s28] =	ssyncadd.s32 s0  }
.Ltmp18:
0x2bb: {  	_ =	sfence.stream.spmem;
	(pc) =	sbr.rel @p0 .LBB2_38-.Ltmp18, $4  }
0x2bc: {  	s29 =	simm.s32 $0x3;
	[bflag:$0x0] =	sbarrier.arrive $0xFFFF  }
0x2bd: {  	s30 =	simm.s32 $0x4;
	[sflag:s29] =	ssyncpa.u1 $0x1  }
0x2be: {  	s31 =	simm.s32 $0x3C;
	[sflag:s30] =	ssyncpa.u1 $0x1  }
0x2bf: {  	s17 =	rddreg [dreg:$0x6];
	[sflag:s31] =	ssyncpa.u1 $0x1  }
0x2c0: {  	_ =	sfence.stream.spmem;
	s0 =	simm.s32 $0x5  }
0x2c1: {  	s2 =	simm.s32 $0x200;
	s3 =	simm.s32 $0x3658;
	[sflag:s0] =	ssyncpa.u1 $0x0  }
0x2c2: {  	[tilespmem:s3], [sflag:$0x5] =	stream.linear.gather [spmem:s2], $0x20, $0x38;
	[tilespmem:$0x1F0F8] =	vst v63  }
0x2c3: {  	s26 =	simm.s32 $0x0;
	s28 =	simm.s32 $0x3678  }
0x2c4: {  	[tilespmem:s28], [sflag:$0x5] =	stream.linear.gather [spmem:s26], $0x200, $0x38;
	[tilespmem:$0x1F0F8] =	vst v63  }
0x2c5: {  	_ =	swait.ge [sflag:s0], $0x220  }
0x2c6: {  	[sflag:s0] =	ssyncset.done $0x0  }
0x2c7: {  	s29 =	simm.s32 $0x0;
	[sflag:s0] =	ssyncadd.s32 $0xFFFFFDE0  }
0x2c8: {  	v0 =	vld.msk [tilespmem:s29+$0x3658], $0x1;
	_ =	sdelay $0x1  }
0x2c9: {  	s30 =	simm.s32 $0x1  }
0x2ca: {  	v1 =	vld.msk [tilespmem:s30+$0x3658], $0x1;
	_ =	sdelay $0x1  }
0x2cb: {  	(v2sf) =	vpush v0, $0x0;
	_ =	sdelay $0x2  }
0x2cc: {  	(v2sf) =	vpush v1, $0x0;
	_ =	sdelay $0x2  }
0x2cd: {  	s31 =	simm.s32 $0x2  }
0x2ce: {  	v0 =	vld.msk [tilespmem:s31+$0x3658], $0x1;
	_ =	sdelay $0x2  }
0x2cf: {  	s6 =	simm.s32 $0xFFFFFFFF;
	s2 =	simm.s32 $0xFFFFFFFF;
	s0 =	simm.s32 $0xC  }
.LBB2_23:
0x2d0: {  	s3 =	smov.u32 s6;
	s4 =	smov.u32 s2  }
0x2d1: {  	s2 =	sshra.s32 s0, $0x2;
	p1 =	sne.s32 s0, $0x7C;
	s0 =	sadd.s32 $0x4, s0;
	(v2sf) =	vpush v0, $0x0  }
0x2d2: {  	v0 =	vld.msk [tilespmem:s2+$0x3658], $0x1  }
.Ltmp19:
0x2d3: {  	(pc) =	sbr.rel @p1 .LBB2_23-.Ltmp19, $4  }
0x2d4: {  	s6 =	spop (v2sf)  }
0x2d5: {  	p2 =	sne.s32 s4, $0xFFFFFFFF;
	s2 =	smov.u32 s6  }
0x2d6: {  	p3 =	seq.s32 s6, $0xFFFFFFFF;
	s2 =	smov.u32 @p2 s4  }
0x2d7: {  	s6 =	smov.u32 @p3 s3;
	s2 =	smov.u32 @p3 s4  }
0x2d8: {  	(v2sf) =	vpush v0, $0x0;
	_ =	sdelay $0x8  }
0x2d9: {  	s0 =	spop (v2sf)  }
0x2da: {  	p1 =	sne.s32 s2, $0xFFFFFFFF;
	s3 =	smov.u32 s0  }
0x2db: {  	s9 =	simm.s32 $0x6;
	p2 =	seq.s32 s0, $0xFFFFFFFF;
	s3 =	smov.u32 @p1 s2  }
0x2dc: {  	s10 =	simm.s32 $0x3638;
	s3 =	smov.u32 @p2 s2;
	s2 =	spop (v2sf)  }
0x2dd: {  	s0 =	smov.u32 @p2 s6;
	p1 =	sne.s32 s3, $0xFFFFFFFF;
	s4 =	smov.u32 s2  }
.Ltmp20:
0x2de: {  	p2 =	seq.s32 s2, $0xFFFFFFFF;
	s4 =	smov.u32 @p1 s3;
	(pc) =	sbr.rel .LBB2_25-.Ltmp20, $4  }
0x2df: {  	s11 =	simm.s32 $0x0;
	s4 =	smov.u32 @p2 s3;
	s7 =	spop (v2sf)  }
0x2e0: {  	[sflag:s9] =	ssyncpa.u1 $0x0;
	p1 =	sne.s32 s4, $0xFFFFFFFF;
	s8 =	smov.u32 s7  }
0x2e1: {  	s2 =	smov.u32 @p2 s0;
	p2 =	seq.s32 s7, $0xFFFFFFFF;
	s8 =	smov.u32 @p1 s4  }
0x2e2: {  	s6 =	simm.s32 $0x0;
	s7 =	smov.u32 @p2 s2;
	s8 =	smov.u32 @p2 s4  }
.LBB2_30:
0x2e3: {  	p1 =	sgt.u32 s12, $0x270FF  }
0x2e4: {  	p2 =	seq.s32 @!p1 s12, s8  }
0x2e5: {  	p1 =	por p1, p2  }
0x2e6: {  	p2 =	sne.s32 @!p1 s12, s7  }
0x2e7: {  	p1 =	por p1, !p2  }
0x2e8: {  	s0 =	sshll.u32 @p1 s11, $0x6  }
0x2e9: {  	s0 =	sand.u32 @!p1 $0x3FFF8, s12  }
0x2ea: {  	s2 =	sand.u32 @!p1 $0x7, s12;
	s0 =	sadd.s32 @!p1 s1, s0  }
0x2eb: {  	[tilespmem:s10], [sflag:$0x6] =	stream.linear.gather @!p1 [hbm4b:s0+s2], $0x8, $0x38;
	[tilespmem:$0x1F0F8] =	vst v63  }
0x2ec: {  	_ =	swait.ge @!p1 [sflag:s9], $0x8  }
0x2ed: {  	[sflag:s9] =	ssyncset.done @!p1 $0x0  }
0x2ee: {  	[sflag:s9] =	ssyncadd.s32 @!p1 $0xFFFFFFF8  }
0x2ef: {  	v1 =	vld @!p1 [tilespmem:$0x3638];
	_ =	sdelay $0x2  }
0x2f0: {  	s0 =	sshll.u32 @!p1 s11, $0x6  }
0x2f1: {  	s2 =	sshrl.u32 @!p1 s0, $0x2  }
0x2f2: {  	[tilespmem:s2+$0x3678] =	vst.add.f32.msk @!p1 $0xffff, v1  }
0x2f3: {  	s0 =	sshrl.u32 s0, $0x2;
	[tilespmem:s6+$0x3658] =	vst.msk $0x1, v0  }
0x2f4: {  	v0 =	vld [tilespmem:s0+$0x3678];
	_ =	sdelay $0x2  }
0x2f5: {  	s31 =	sshll.u32 s6, $0x6  }
0x2f6: {  	s0 =	sshra.s32 s31, $0x2  }
0x2f7: {  	s6 =	sadd.s32 $0x1, s6;
	[tilespmem:s0+$0x3678] =	vst v0  }
.LBB2_32:
0x2f8: {  	s11 =	sadd.s32 $0x1, s11  }
0x2f9: {  	p1 =	sne.s32 s11, $0x20  }
.Ltmp21:
0x2fa: {  	_ = 	snop;
	(pc) =	sbr.rel @!p1 .LBB2_33-.Ltmp21, $1  }
0x2fb: {  	_ =	sdelay $0x3  }
.LBB2_25:
0x2fc: {  	v0 =	vld.msk [tilespmem:s11+$0x3658], $0x1;
	_ =	sdelay $0x4  }
0x2fd: {  	(v2sf) =	vpush v0, $0x0;
	_ =	sdelay $0xe  }
0x2fe: {  	s12 =	spop (v2sf)  }
0x2ff: {  	p1 =	seq.s32 s12, $0xFFFFFFFF  }
.Ltmp22:
0x300: {  	_ = 	snop;
	(pc) =	sbr.rel @p1 .LBB2_32-.Ltmp22, $1  }
0x301: {  	_ =	sdelay $0x3  }
0x302: {  	p1 =	slt.s32 s6, $0x1  }
.Ltmp23:
0x303: {  	_ = 	snop;
	(pc) =	sbr.rel @p1 .LBB2_30-.Ltmp23, $1  }
0x304: {  	_ =	sdelay $0x3  }
0x305: {  	s13 =	simm.s32 $0x3658;
	p1 =	por $0x0, $0x0  }
0x306: {  	v1 =	vld.msk @!p1 [tilespmem:s13+$0x0], $0x1;
	_ =	sdelay $0x4  }
0x307: {  	(v2sf) =	vpush @!p1 v1, $0x0;
	_ =	sdelay $0xd  }
0x308: {  	p3 =	sne.s32 s6, $0x1  }
.Ltmp24:
0x309: {  	s0 =	spop @!p1 (v2sf);
	(pc) =	sbr.rel @!p3 .LBB2_29-.Ltmp24, $4  }
0x30a: {  	p2 =	seq.s32 @!p1 s12, s0  }
0x30b: {  	s14 =	simm.s32 $0x0;
	p2 =	por !p2, p1  }
0x30c: {  	s0 =	simm.s32 $0xFFFFFFFF;
	s14 =	simm.s32 @p2 $0xFFFFFFFF  }
0x30d: {  	s15 =	simm.s32 $0x1;
	s14 =	smov.u32 @p1 s0  }
.LBB2_28:
0x30e: {  	s0 =	smov.u32 s14;
	p1 =	sne.s32 s14, $0xFFFFFFFF  }
0x30f: {  	s13 =	sadd.s32 $0x1, s13;
	s14 =	smov.u32 s15;
	s15 =	sadd.s32 $0x1, s15  }
0x310: {  	p2 =	sne.s32 s6, s15;
	v1 =	vld.msk @!p1 [tilespmem:s13+$0x0], $0x1;
	_ =	sdelay $0x4  }
0x311: {  	(v2sf) =	vpush @!p1 v1, $0x0;
	_ =	sdelay $0xe  }
.Ltmp25:
0x312: {  	s2 =	spop @!p1 (v2sf);
	(pc) =	sbr.rel @p2 .LBB2_28-.Ltmp25, $4  }
0x313: {  	p3 =	seq.s32 @!p1 s12, s2  }
0x314: {  	p3 =	por !p3, p1  }
0x315: {  	s14 =	simm.s32 @p3 $0xFFFFFFFF  }
0x316: {  	s14 =	smov.u32 @p1 s0  }
.LBB2_29:
0x317: {  	p1 =	sne.s32 s14, $0xFFFFFFFF  }
.Ltmp26:
0x318: {  	_ = 	snop;
	(pc) =	sbr.rel @!p1 .LBB2_30-.Ltmp26, $1  }
0x319: {  	_ =	sdelay $0x3  }
0x31a: {  	s0 =	sshll.u32 s11, $0x4  }
0x31b: {  	s0 =	sand.u32 $0x3FFFFFF0, s0  }
0x31c: {  	v0 =	vld [tilespmem:s0+$0x3678]  }
.Ltmp27:
0x31d: {  	_ = 	snop;
	(pc) =	sbr.rel .LBB2_32-.Ltmp27, $4  }
0x31e: {  	_ = 	snop  }
0x31f: {  	s31 =	sshll.u32 s14, $0x6  }
0x320: {  	s0 =	sshra.s32 s31, $0x2  }
0x321: {  	[tilespmem:s0+$0x3678] =	vst.add.f32.msk $0xffff, v0  }
.LBB2_33:
0x322: {  	s0 =	simm.s32 $0x6;
	p1 =	seq.s32 s6, $0x0  }
0x323: {  	[sflag:s0] =	ssyncpa.u1 $0x1;
	v0 =	vimm.s32 @p1 $0xFFFFFFFF  }
0x324: {  	s9 =	sadd.s32 $0xFFFFFFFF, s6;
	[tilespmem:$0x3878] =	vst @p1 v0  }
0x325: {  	v0 =	vld.msk @!p1 [tilespmem:s9+$0x3658], $0x1;
	_ =	sdelay $0x1  }
0x326: {  	v1 =	vld.msk @!p1 [tilespmem:$0x3658], $0x1;
	_ =	sdelay $0x2  }
0x327: {  	p2 =	seq.s32 @!p1 s9, $0x0;
	v0 =	vbroadcast @!p1 v0, $0x0  }
0x328: {  	vm0 =	vmmov @!p1 $0x1;
	p2 =	por !p2, p1  }
0x329: {  	v1 =	vnsel @!p1 vm0, $0xFFFFFFFF, v1;
	vm0 =	vcmask @!p1 $0x308;
	v0 =	vpsel !p2, $0xFFFFFFFF, v0  }
0x32a: {  	p2 =	sne.s32 @!p1 s8, s7;
	v0 =	vsel @!p1 vm0, v1, v0  }
0x32b: {  	s0 =	simm.s32 @!p1 $0x3678;
	s2 =	simm.s32 @!p1 $0x0;
	p3 =	por !p2, p1;
	[tilespmem:$0x3878] =	vst @!p1 v0  }
0x32c: {  	[spmem:s2] =	stream.linear.scatter @!p1 [tilespmem:s0], [sflag:$0x1], $0x10, $0x38;
	[tilespmem:$0x1F0F8] =	vst v63  }
0x32d: {  	s0 =	sshll.u32 @!p3 s9, $0x6  }
0x32e: {  	s0 =	sshra.s32 @!p3 s0, $0x2  }
0x32f: {  	s2 =	simm.s32 @!p3 $0x10;
	s0 =	sadd.s32 @!p3 $0x3678, s0  }
0x330: {  	[spmem:s2] =	stream.linear.scatter @!p3 [tilespmem:s0], [sflag:$0x1], $0x10, $0x38;
	[tilespmem:$0x1F0F8] =	vst v63  }
0x331: {  	s0 =	simm.s32 @!p3 $0x1  }
0x332: {  	_ =	swait.ge @!p3 [sflag:s0], $0x20  }
0x333: {  	p1 =	por p2, p1;
	[sflag:s0] =	ssyncset.done @!p3 $0x0  }
0x334: {  	[sflag:s0] =	ssyncadd.s32 @!p3 $0xFFFFFFE0;
	s0 =	simm.s32 @!p1 $0x1  }
0x335: {  	_ =	swait.ge @!p1 [sflag:s0], $0x10  }
0x336: {  	s29 =	simm.s32 $0x3878;
	[sflag:s0] =	ssyncset.done @!p1 $0x0  }
0x337: {  	s30 =	simm.s32 $0x200;
	s31 =	simm.s32 $0x1;
	[sflag:s0] =	ssyncadd.s32 @!p1 $0xFFFFFFF0  }
0x338: {  	[spmem:s30] =	stream.linear.scatter [tilespmem:s29], [sflag:$0x1], $0x10, $0x38;
	[tilespmem:$0x1F0F8] =	vst v63  }
0x339: {  	_ =	swait.ge [sflag:s31], $0x10  }
0x33a: {  	[sflag:s31] =	ssyncset.done $0x0  }
0x33b: {  	p1 =	seq.s32 s17, $0x0;
	s8 =	rddreg [dreg:$0x2];
	[sflag:s31] =	ssyncadd.s32 $0xFFFFFFF0  }
0x33c: {  	s2 =	sshll.u32 @p1 s8, $0xE;
	s7 =	rddreg [dreg:$0x3]  }
0x33d: {  	s0 =	sadd.s32 @p1 $0x15C3C, s2;
	s2 =	sshll.u32 @p1 s7, $0x11  }
0x33e: {  	_ =	sfence.stream.spmem;
	s0 =	sor.u32 @p1 s2, s0  }
0x33f: {  	[sflag:s0] =	ssyncadd.remote.s32 @p1 $0x1;
	s0 =	simm.s32 @p1 $0x4  }
0x340: {  	s3 =	simm.s32 @!p1 $0x3C;
	s2 =	sand.u32 $0xFFFFFFFE, s8;
	_ =	swait.ge @p1 [sflag:s0], $0x6  }
0x341: {  	s4 =	simm.s32 @!p1 $0x0;
	s2 =	sadd.s32 @!p1 $0x4, s2;
	[sflag:s0] =	ssyncset.done @p1 $0x0  }
0x342: {  	s5 =	simm.s32 @!p1 $0x20;
	[sflag:s0] =	ssyncadd.s32 @p1 $0xFFFFFFFA;
	s0 =	sshll.u32 @!p1 s2, $0x1A  }
0x343: {  	s2 =	sshll.u32 @!p1 s2, $0xD;
	s0 =	sor.u32 @!p1 s0, s7;
	_ =	swait.eq @!p1 [sflag:s3], $0x1  }
0x344: {  	s2 =	sor.u32 @!p1 $0x1C04, s2;
	s3 =	simm.s32 @!p1 $0x1C03;
	s0 =	sor.u32 @!p1 $0x80004000, s0  }
0x345: {  	[spmem:s5], [sflag:s2] =	dma.general @!p1 [spmem:s4], [sflag:s3], length:$0x4, [dreg:$0x0], stride_count:$0x0, ici_dest:s0, dma_misc:DstOpCode:WRITE  }
0x346: {  	p2 =	slt.s32 s9, $0x2;
	s4 =	simm.s32 @!p1 $0x40;
	s5 =	simm.s32 @!p1 $0x42  }
0x347: {  	[spmem:s5], [sflag:s2] =	dma.general @!p1 [spmem:s4], [sflag:s3], length:$0x2, [dreg:$0x0], stride_count:$0x0, ici_dest:s0, dma_misc:DstOpCode:WRITE  }
.Ltmp28:
0x348: {  	s0 =	simm.s32 @!p1 $0x3;
	(pc) =	sbr.rel @p2 .LBB2_37-.Ltmp28, $4  }
0x349: {  	s2 =	sshll.u32 @!p1 s8, $0xE;
	_ =	swait.ge @!p1 [sflag:s0], $0x6  }
0x34a: {  	s3 =	sshll.u32 @!p1 s7, $0x11;
	s2 =	sadd.s32 @!p1 $0x11C3C, s2;
	[sflag:s0] =	ssyncset.done @!p1 $0x0  }
0x34b: {  	[sflag:s0] =	ssyncadd.s32 @!p1 $0xFFFFFFFA;
	s0 =	sor.u32 @!p1 s3, s2  }
0x34c: {  	[sflag:s0] =	ssyncadd.remote.s32 @!p1 $0xFFFFFFFF;
	s0 =	simm.s32 $0x0  }
0x34d: {  	s0 =	simm.s32 $0x3659  }
0x34e: {  	v0 =	vld.msk [tilespmem:s0+$0x0], $0x1;
	_ =	sdelay $0x4  }
0x34f: {  	(v2sf) =	vpush v0, $0x0;
	_ =	sdelay $0xd  }
0x350: {  	s3 =	sadd.s32 $0xFFFFFFFE, s6  }
0x351: {  	s3 =	sadd.s32 $0xFFFFFFFF, s3;
	s0 =	spop (v2sf)  }
0x352: {  	p2 =	sne.s32 s3, $0x0;
	p1 =	sgt.u32 s0, $0x270FF  }
.Ltmp29:
0x353: {  	s4 =	sand.u32 @!p1 $0x3FFF8, s0;
	(pc) =	sbr.rel @!p2 .LBB2_36-.Ltmp29, $4  }
0x354: {  	s2 =	simm.s32 $0x3688;
	s0 =	sand.u32 @!p1 $0x7, s0;
	s4 =	sadd.s32 @!p1 s1, s4  }
0x355: {  	[hbm4b:s4+s0] =	stream.linear.scatter @!p1 [tilespmem:s2], [sflag:$0x5], $0x8, $0x38;
	[tilespmem:$0x1F0F8] =	vst v63  }
0x356: {  	s0 =	simm.s32 $0x0  }
0x357: {  	s6 =	simm.s32 $0x0;
	s7 =	simm.s32 $0x365A;
	s0 =	simm.s32 @!p1 $0x20  }
.LBB2_35:
0x358: {  	v0 =	vld.msk [tilespmem:s7+$0x0], $0x1;
	s3 =	sadd.s32 $0xFFFFFFFF, s3;
	s6 =	sadd.s32 s6, s0  }
0x359: {  	p1 =	sne.s32 s3, $0x0;
	_ =	sdelay $0x3  }
0x35a: {  	(v2sf) =	vpush v0, $0x0;
	_ =	sdelay $0xe  }
.Ltmp30:
0x35b: {  	s4 =	spop (v2sf);
	(pc) =	sbr.rel @p1 .LBB2_35-.Ltmp30, $4  }
0x35c: {  	s0 =	simm.s32 $0x0;
	p2 =	sgt.u32 s4, $0x270FF  }
0x35d: {  	s2 =	sadd.s32 $0x10, s2;
	s0 =	simm.s32 @!p2 $0x20;
	s5 =	sand.u32 @!p2 $0x3FFF8, s4  }
0x35e: {  	s7 =	sadd.s32 $0x1, s7;
	s4 =	sand.u32 @!p2 $0x7, s4;
	s5 =	sadd.s32 @!p2 s1, s5  }
0x35f: {  	[hbm4b:s5+s4] =	stream.linear.scatter @!p2 [tilespmem:s2], [sflag:$0x5], $0x8, $0x38;
	[tilespmem:$0x1F0F8] =	vst v63  }
.LBB2_36:
0x360: {  	s0 =	sadd.s32 s6, s0  }
0x361: {  	s0 =	sshrl.u32 s0, $0x2  }
.LBB2_37:
0x362: {  	s2 =	simm.s32 $0x5  }
0x363: {  	_ =	swait.ge [sflag:s2], s0  }
0x364: {  	s31 =	ssub.s32 $0x0, s0;
	[sflag:s2] =	ssyncset.done $0x0  }
0x365: {  	[sflag:s2] =	ssyncadd.s32 s31  }
0x366: {  	[sflag:s2] =	ssyncpa.u1 $0x1  }
.LBB2_38:
0x367: {  	s0 =	sor.u32 s17, s16  }
0x368: {  	p1 =	sne.s32 s0, $0x0  }
.Ltmp31:
0x369: {  	_ = 	snop;
	(pc) =	sbr.rel @p1 .LBB2_53-.Ltmp31, $3  }
0x36a: {  	_ =	sdelay $0x1  }
0x36b: {  	[bflag:$0x0] =	sbarrier.arrive $0xFFFF  }
0x36c: {  	_ =	sfence  }
0x36d: {  	s0 =	simm.s32 $0x7  }
0x36e: {  	s2 =	simm.s32 $0x200;
	s3 =	simm.s32 $0x3658;
	[sflag:s0] =	ssyncpa.u1 $0x0  }
0x36f: {  	[tilespmem:s3], [sflag:$0x7] =	stream.linear.gather [spmem:s2], $0x20, $0x38;
	[tilespmem:$0x1F0F8] =	vst v63  }
0x370: {  	s30 =	simm.s32 $0x3678;
	s2 =	simm.s32 $0x0  }
0x371: {  	[tilespmem:s30], [sflag:$0x7] =	stream.linear.gather [spmem:s2], $0x200, $0x38;
	[tilespmem:$0x1F0F8] =	vst v63  }
.Ltmp32:
0x372: {  	_ = 	snop;
	(pc) =	sbr.rel .LBB2_40-.Ltmp32, $4  }
0x373: {  	_ =	swait.ge [sflag:s0], $0x220  }
0x374: {  	[sflag:s0] =	ssyncset.done $0x0  }
0x375: {  	s31 =	simm.s32 $0x8;
	[sflag:s0] =	ssyncadd.s32 $0xFFFFFDE0  }
0x376: {  	s3 =	simm.s32 $0x0;
	[sflag:s31] =	ssyncpa.u1 $0x0  }
.LBB2_45:
0x377: {  	p1 =	slt.u32 s4, $0x27100  }
0x378: {  	s0 =	sand.u32 @p1 $0x3FFF8, s4  }
0x379: {  	s4 =	sand.u32 @p1 $0x7, s4;
	s5 =	simm.s32 @p1 $0x3638;
	s0 =	sadd.s32 @p1 s1, s0  }
0x37a: {  	[tilespmem:s5], [sflag:$0x8] =	stream.linear.gather @p1 [hbm4b:s0+s4], $0x8, $0x38;
	[tilespmem:$0x1F0F8] =	vst v63  }
0x37b: {  	s0 =	simm.s32 @p1 $0x8  }
0x37c: {  	_ =	swait.ge @p1 [sflag:s0], $0x8  }
0x37d: {  	[sflag:s0] =	ssyncset.done @p1 $0x0  }
0x37e: {  	[sflag:s0] =	ssyncadd.s32 @p1 $0xFFFFFFF8  }
0x37f: {  	v1 =	vld @p1 [tilespmem:$0x3638];
	_ =	sdelay $0x2  }
0x380: {  	s0 =	sshll.u32 @p1 s3, $0x6  }
0x381: {  	s5 =	sshll.u32 @!p1 s3, $0x6;
	s4 =	sshrl.u32 @p1 s0, $0x2  }
0x382: {  	s5 =	smov.u32 @p1 s0;
	[tilespmem:s4+$0x3678] =	vst.add.f32.msk @p1 $0xffff, v1  }
0x383: {  	s0 =	sshrl.u32 s5, $0x2;
	[tilespmem:s2+$0x3658] =	vst.msk $0x1, v0  }
0x384: {  	v0 =	vld [tilespmem:s0+$0x3678];
	_ =	sdelay $0x2  }
0x385: {  	s31 =	sshll.u32 s2, $0x6  }
0x386: {  	s0 =	sshra.s32 s31, $0x2  }
0x387: {  	s2 =	sadd.s32 $0x1, s2;
	[tilespmem:s0+$0x3678] =	vst v0  }
.LBB2_47:
0x388: {  	s3 =	sadd.s32 $0x1, s3  }
0x389: {  	p1 =	sne.s32 s3, $0x20  }
.Ltmp33:
0x38a: {  	_ = 	snop;
	(pc) =	sbr.rel @!p1 .LBB2_48-.Ltmp33, $1  }
0x38b: {  	_ =	sdelay $0x3  }
.LBB2_40:
0x38c: {  	v0 =	vld.msk [tilespmem:s3+$0x3658], $0x1;
	_ =	sdelay $0x4  }
0x38d: {  	(v2sf) =	vpush v0, $0x0;
	_ =	sdelay $0xe  }
0x38e: {  	s4 =	spop (v2sf)  }
0x38f: {  	p1 =	seq.s32 s4, $0xFFFFFFFF  }
.Ltmp34:
0x390: {  	_ = 	snop;
	(pc) =	sbr.rel @p1 .LBB2_47-.Ltmp34, $1  }
0x391: {  	_ =	sdelay $0x3  }
0x392: {  	p1 =	slt.s32 s2, $0x1  }
.Ltmp35:
0x393: {  	_ = 	snop;
	(pc) =	sbr.rel @p1 .LBB2_45-.Ltmp35, $1  }
0x394: {  	_ =	sdelay $0x3  }
0x395: {  	s5 =	simm.s32 $0x3658;
	p1 =	por $0x0, $0x0  }
0x396: {  	v1 =	vld.msk @!p1 [tilespmem:s5+$0x0], $0x1;
	_ =	sdelay $0x4  }
0x397: {  	(v2sf) =	vpush @!p1 v1, $0x0;
	_ =	sdelay $0xd  }
0x398: {  	p3 =	sne.s32 s2, $0x1  }
.Ltmp36:
0x399: {  	s0 =	spop @!p1 (v2sf);
	(pc) =	sbr.rel @!p3 .LBB2_44-.Ltmp36, $4  }
0x39a: {  	p2 =	seq.s32 @!p1 s4, s0  }
0x39b: {  	s6 =	simm.s32 $0x0;
	p2 =	por !p2, p1  }
0x39c: {  	s0 =	simm.s32 $0xFFFFFFFF;
	s6 =	simm.s32 @p2 $0xFFFFFFFF  }
0x39d: {  	s7 =	simm.s32 $0x1;
	s6 =	smov.u32 @p1 s0  }
.LBB2_43:
0x39e: {  	s0 =	smov.u32 s6;
	p1 =	sne.s32 s6, $0xFFFFFFFF  }
0x39f: {  	s5 =	sadd.s32 $0x1, s5;
	s6 =	smov.u32 s7;
	s7 =	sadd.s32 $0x1, s7  }
0x3a0: {  	p2 =	sne.s32 s2, s7;
	v1 =	vld.msk @!p1 [tilespmem:s5+$0x0], $0x1;
	_ =	sdelay $0x4  }
0x3a1: {  	(v2sf) =	vpush @!p1 v1, $0x0;
	_ =	sdelay $0xe  }
.Ltmp37:
0x3a2: {  	s8 =	spop @!p1 (v2sf);
	(pc) =	sbr.rel @p2 .LBB2_43-.Ltmp37, $4  }
0x3a3: {  	p3 =	seq.s32 @!p1 s4, s8  }
0x3a4: {  	p3 =	por !p3, p1  }
0x3a5: {  	s6 =	simm.s32 @p3 $0xFFFFFFFF  }
0x3a6: {  	s6 =	smov.u32 @p1 s0  }
.LBB2_44:
0x3a7: {  	p1 =	sne.s32 s6, $0xFFFFFFFF  }
.Ltmp38:
0x3a8: {  	_ = 	snop;
	(pc) =	sbr.rel @!p1 .LBB2_45-.Ltmp38, $1  }
0x3a9: {  	_ =	sdelay $0x3  }
0x3aa: {  	s0 =	sshll.u32 s3, $0x4  }
0x3ab: {  	s0 =	sand.u32 $0x3FFFFFF0, s0  }
0x3ac: {  	v0 =	vld [tilespmem:s0+$0x3678]  }
.Ltmp39:
0x3ad: {  	_ = 	snop;
	(pc) =	sbr.rel .LBB2_47-.Ltmp39, $4  }
0x3ae: {  	_ = 	snop  }
0x3af: {  	s31 =	sshll.u32 s6, $0x6  }
0x3b0: {  	s0 =	sshra.s32 s31, $0x2  }
0x3b1: {  	[tilespmem:s0+$0x3678] =	vst.add.f32.msk $0xffff, v0  }
.LBB2_48:
0x3b2: {  	p1 =	slt.s32 s2, $0x1  }
.Ltmp40:
0x3b3: {  	_ = 	snop;
	(pc) =	sbr.rel @p1 .LBB2_52-.Ltmp40, $3  }
0x3b4: {  	_ =	sdelay $0x1  }
0x3b5: {  	s0 =	simm.s32 $0x8  }
0x3b6: {  	s3 =	simm.s32 $0x0;
	[sflag:s0] =	ssyncpa.u1 $0x1  }
0x3b7: {  	s0 =	simm.s32 $0x3658  }
0x3b8: {  	v0 =	vld.msk [tilespmem:s0+$0x0], $0x1;
	_ =	sdelay $0x4  }
0x3b9: {  	(v2sf) =	vpush v0, $0x0;
	_ =	sdelay $0xe  }
0x3ba: {  	s2 =	sadd.s32 $0xFFFFFFFF, s2;
	s0 =	spop (v2sf)  }
0x3bb: {  	p2 =	sne.s32 s2, $0x0;
	p1 =	sgt.u32 s0, $0x270FF  }
.Ltmp41:
0x3bc: {  	s5 =	sand.u32 @!p1 $0x3FFF8, s0;
	(pc) =	sbr.rel @!p2 .LBB2_51-.Ltmp41, $4  }
0x3bd: {  	s4 =	simm.s32 $0x3678;
	s0 =	sand.u32 @!p1 $0x7, s0;
	s5 =	sadd.s32 @!p1 s1, s5  }
0x3be: {  	[hbm4b:s5+s0] =	stream.linear.scatter @!p1 [tilespmem:s4], [sflag:$0x7], $0x8, $0x38;
	[tilespmem:$0x1F0F8] =	vst v63  }
0x3bf: {  	s0 =	simm.s32 $0x0  }
0x3c0: {  	s5 =	simm.s32 $0x3659;
	s0 =	simm.s32 @!p1 $0x20  }
.LBB2_50:
0x3c1: {  	v0 =	vld.msk [tilespmem:s5+$0x0], $0x1;
	s2 =	sadd.s32 $0xFFFFFFFF, s2;
	s3 =	sadd.s32 s3, s0  }
0x3c2: {  	p1 =	sne.s32 s2, $0x0;
	_ =	sdelay $0x3  }
0x3c3: {  	(v2sf) =	vpush v0, $0x0;
	_ =	sdelay $0xe  }
.Ltmp42:
0x3c4: {  	s6 =	spop (v2sf);
	(pc) =	sbr.rel @p1 .LBB2_50-.Ltmp42, $4  }
0x3c5: {  	s0 =	simm.s32 $0x0;
	p2 =	sgt.u32 s6, $0x270FF  }
0x3c6: {  	s4 =	sadd.s32 $0x10, s4;
	s0 =	simm.s32 @!p2 $0x20;
	s7 =	sand.u32 @!p2 $0x3FFF8, s6  }
0x3c7: {  	s5 =	sadd.s32 $0x1, s5;
	s6 =	sand.u32 @!p2 $0x7, s6;
	s7 =	sadd.s32 @!p2 s1, s7  }
0x3c8: {  	[hbm4b:s7+s6] =	stream.linear.scatter @!p2 [tilespmem:s4], [sflag:$0x7], $0x8, $0x38;
	[tilespmem:$0x1F0F8] =	vst v63  }
.LBB2_51:
0x3c9: {  	s0 =	sadd.s32 s3, s0  }
0x3ca: {  	s3 =	sshrl.u32 s0, $0x2  }
.LBB2_52:
0x3cb: {  	s0 =	simm.s32 $0x7  }
0x3cc: {  	_ =	swait.ge [sflag:s0], s3  }
0x3cd: {  	s1 =	ssub.s32 $0x0, s3;
	[sflag:s0] =	ssyncset.done $0x0  }
0x3ce: {  	[sflag:s0] =	ssyncadd.s32 s1  }
0x3cf: {  	[sflag:s0] =	ssyncpa.u1 $0x1  }
.LBB2_53:
0x3d0: {  	_ =	sfence;
	s0 =	simm.s32 $0x1  }
0x3d1: {  	[sflag:s0] =	ssyncpa.u1 $0x1  }
0x3d2: {  	_ =	strace $0x90000050  }
0x3d3: {  	[bflag:$0x2] =	sbarrier.arrive $0xFFFF  }
0x3d4: {  	s0 =	rddreg [dreg:$0x4]  }
0x3d5: {  	s0 =	sadd.s32 @!p0 $0x100000, s0  }
0x3d6: {  	[sflag:s0] =	ssyncadd.tile.s32 @!p0 $0x1;
	_ =	shalt  }
.Lfunc_end2:
_tile_overlayer_lowered:
.L_overlay_start_2:
0x3d7: {  	(tag) =	ssettag $0x2  }
0x3d8: {  	s0 =	rddreg [dreg:$0x0];
	s2 =	stileid.u32  }
0x3d9: {  	s1 =	rddreg [dreg:$0x1];
	p0 =	sne.s32 s2, $0x0  }
0x3da: {  	s3 =	rddreg [dreg:$0x2];
	[bflag:$0x3] =	sbarrier.arrive $0xFFFF;
	s2 =	simm.s32 @!p0 $0x1C01  }
0x3db: {  	[timem:s3], [sflag:s2] =	dma.local @!p0 [hbm:s0], s1  }
0x3dc: {  	s0 =	simm.s32 @!p0 $0x1  }
0x3dd: {  	_ =	swait.ge @!p0 [sflag:s0], s1  }
0x3de: {  	s1 =	ssub.s32 @!p0 $0x0, s1;
	[sflag:s0] =	ssyncset.done @!p0 $0x0  }
0x3df: {  	[sflag:s0] =	ssyncadd.s32 @!p0 s1  }
0x3e0: {  	[bflag:$0x3] =	sbarrier.arrive $0xFFFF  }
0x3e1: {  	_ =	shalt  }

// kernel: sparse-core-data-format-call.1.cloned.1.call-start
scs
called_computation.2_lowered:
.L_overlay_start_0:
0x0: {  	s2 =	sld [smem:$0x3FD9]  }
0x1: {  	s3 =	sld [smem:$0x3FFE];
	_ =	sdelay $0x1  }
0x2: {  	s1 =	srdreg.scid  }
0x3: {  	s0 =	sand.u32 $0x1, s1  }
0x4: {  	s18 =	sshll.u32 s0, $0xA;
	s2 =	sadd.s32 s3, s2  }
0x5: {  	s2 =	sadd.s32 s2, s18  }
0x6: {  	[smem:$0x3FBA] =	sst s2  }
0x7: {  	_ = 	snop  }
0x8: {  	(tm) =	ssettm $0x1  }
0x9: {  	s19 =	sld [smem:$0x3FFB];
	_ =	sdelay $0x3  }
0xa: {  	_ =	strace s19  }
0xb: {  	s2 =	sld [smem:$0x3FFC];
	_ =	sdelay $0x3  }
0xc: {  	_ =	strace s2  }
0xd: {  	s2 =	sld [smem:$0x3FFD];
	_ =	sdelay $0x3  }
0xe: {  	_ =	strace s2  }
0xf: {  	_ =	strace $0x8FFFFFFF  }
0x10: {  	s20 =	sld [smem:$0x3FDB];
	_ =	sdelay $0x1  }
0x11: {  	s21 =	simm.s32 $_scs_section_size  }
0x12: {  	s4 =	simm.s32 $_size__tile_overlayer_lowered;
	s5 =	simm.s32 $_tile_overlayer_lowered  }
0x13: {  	s6 =	simm.s32 $0x1BFF;
	s22 =	sshll.u32 s5, $0x1;
	s3 =	sadd.s32 s21, s20  }
0x14: {  	s23 =	simm.s32 $0x0;
	s4 =	sshll.u32 s4, $0x1;
	s5 =	sadd.s32 s22, s3  }
0x15: {  	[timem:s23], [sflag:s6] =	dma.local [hbm:s5], s4  }
0x16: {  	_ =	swait.ge [sflag:s6], s4  }
0x17: {  	s4 =	ssub.s32 $0x0, s4;
	[sflag:s6] =	ssyncset.done $0x0  }
0x18: {  	[sflag:s6] =	ssyncadd.s32 s4;
	_ =	sdelay $0x1  }
0x19: {  	s24 =	simm.s32 $0x1B8B  }
0x1a: {  	_ =	swait.ge [sflag:s24], $0x1  }
0x1b: {  	[sflag:s24] =	ssyncset.done $0x0  }
0x1c: {  	[sflag:s24] =	ssyncadd.s32 $0xFFFFFFFF  }
0x1d: {  	s4 =	sld [smem:$0x0]  }
0x1e: {  	s5 =	sand.u32 $0xFFFFFFFE, s1  }
0x1f: {  	p0 =	sne.s32 s1, s5  }
0x20: {  	s5 =	sshll.u32 @p0 s5, $0xE  }
0x21: {  	s5 =	sadd.s32 @p0 $0x11B8D, s5;
	s6 =	sshll.u32 @p0 s4, $0x11  }
0x22: {  	s5 =	sor.u32 @p0 s6, s5  }
0x23: {  	[sflag:s5] =	ssyncadd.remote.s32 @p0 $0x1;
	_ =	sdelay $0x1  }
0x24: {  	s5 =	simm.s32 @p0 $0x1B8D  }
0x25: {  	_ =	swait.eq @p0 [sflag:s5], $0x1  }
0x26: {  	[sflag:s5] =	ssyncadd.s32 @p0 $0xFFFFFFFF  }
0x27: {  	s6 =	sshll.u32 @!p0 s1, $0xE  }
0x28: {  	s6 =	sor.u32 @!p0 $0x4000, s6;
	s5 =	simm.s32 @!p0 $0x1B8D  }
0x29: {  	s4 =	sshll.u32 @!p0 s4, $0x11;
	s6 =	sadd.s32 @!p0 $0x11B8D, s6;
	_ =	swait.eq @!p0 [sflag:s5], $0x1  }
0x2a: {  	s4 =	sor.u32 @!p0 s4, s6;
	[sflag:s5] =	ssyncadd.s32 @!p0 $0xFFFFFFFF  }
0x2b: {  	s26 =	simm.s32 $0x1B8E;
	s25 =	sld [smem:$0x3FFE];
	[sflag:s4] =	ssyncadd.remote.s32 @!p0 $0x1  }
0x2c: {  	s27 =	simm.s32 $execute0_lowered;
	[smem:$0x3FD2] =	sst s26  }
0x2d: {  	s5 =	sshll.u32 s27, $0x1;
	_ =	strace $0x80000049;
	[dreg:$0x1] =	wrdreg $0xFFFFFFFF  }
0x2e: {  	s28 =	simm.s32 $_size_execute0_lowered;
	s3 =	sadd.s32 s3, s5;
	[dreg:$0x0] =	wrdreg $0x0  }
0x2f: {  	s5 =	sshll.u32 s28, $0x1;
	[dreg:$0x2] =	wrdreg s3  }
0x30: {  	[dreg:$0x3] =	wrdreg s5  }
0x31: {  	[dreg:$0x4] =	wrdreg $0xC0  }
0x32: {  	_ =	task [dreg:s23], $0x5FFFF  }
0x33: {  	[dreg:$0x1] =	wrdreg $0xFFFFFFFF  }
0x34: {  	[dreg:$0x0] =	wrdreg $0x60  }
0x35: {  	[dreg:$0x2] =	wrdreg s25  }
0x36: {  	[dreg:$0x3] =	wrdreg $0x9  }
0x37: {  	_ =	task.clear_ibuf [dreg:s23], $0x4FFFF;
	_ =	strace $0x90000049  }
0x38: {  	s29 =	simm.s32 $0x9;
	_ =	strace $0x8000004B  }
0x39: {  	_ =	swait.ge [sflag:s29], $0x1  }
0x3a: {  	[sflag:s29] =	ssyncadd.s32 $0xFFFFFFFF  }
0x3b: {  	_ =	strace $0x9000004B  }
0x3c: {  	_ =	sfence  }
0x3d: {  	s30 =	sld [smem:$0x0];
	_ =	sdelay $0x2  }
0x3e: {  	s31 =	sshll.u32 s1, $0xD;
	s1 =	sshrl.u32 s1, $0x2  }
0x3f: {  	s4 =	sand.u32 $0x4000, s31;
	s1 =	sadd.s32 s1, s30  }
0x40: {  	s0 =	sor.u32 s4, s0;
	s1 =	sshll.u32 s1, $0x11  }
0x41: {  	s0 =	sor.u32 s1, s0  }
0x42: {  	s0 =	sadd.s32 $0x8F2B, s0  }
0x43: {  	[sflag:s0] =	ssyncadd.remote.s32 $0x1  }
0x44: {  	_ =	sfence.sel $0xFFFF  }
0x45: {  	[dreg:$0x0] =	wrdreg $0xFFFFFFFF;
	(pc) =	sbr.abs _section_cstart, $3  }
0x46: {  	[dreg:$0x1] =	wrdreg $0xFFFFFFFF  }
0x47: {  	_ =	task.clear_ibuf [dreg:s23], $0x2FFFF;
	_ =	strace $0x9FFFFFFF  }
0x48: {  	(tm) =	ssettm $0x7FFFFFFF  }
0x49: {  	_ =	shalt  }
tec
execute0_lowered:
.L_overlay_start_1:
0x0: {  	(tag) =	ssettag $0x1  }
0x1: {  	s0 =	srdreg.scid  }
0x2: {  	s1 =	sshll.u32 s0, $0x4  }
0x3: {  	s4 =	rddreg [dreg:$0x0];
	s0 =	stileid.u32;
	s1 =	sand.u32 $0x10, s1  }
0x4: {  	s7 =	simm.s32 $0x1;
	s8 =	simm.s32 $0x2;
	s2 =	sor.u32 s0, s1  }
0x5: {  	s11 =	simm.s32 $0x0;
	s10 =	simm.s32 $0x0;
	s2 =	sshll.u32 s2, $0x7  }
0x6: {  	s3 =	sadd.s32 $0x139CA00, s4;
	s4 =	sadd.s32 $0x3BE00, s4;
	s6 =	ssub.s32 $0x4E200, s2  }
.Ltmp0:
0x7: {  	s1 =	rddreg [dreg:$0x1];
	s5 =	sand.u32 $0xF80, s6;
	(pc) =	sbr.rel .LBB1_1-.Ltmp0, $4  }
0x8: {  	_ =	strace $0x8000004A;
	s9 =	smov.u32 s2;
	p0 =	sne.s32 s5, $0x0  }
0x9: {  	s6 =	sshrl.u32 s6, $0xC;
	s5 =	simm.s32 $0x1;
	s7 =	simm.s32 @!p0 $0x0  }
0xa: {  	[sflag:s5] =	ssyncpa.u1 $0x0;
	p0 =	por $0x0, $0x0;
	s6 =	sadd.s32 s7, s6  }
0xb: {  	[sflag:s8] =	ssyncpa.u1 $0x0;
	s8 =	simm.s32 $0x271000;
	s7 =	sadd.s32 $0x1, s6  }
.LBB1_4:
0xc: {  	v5 =	vld [tilespmem:s15+$0xFFFFFFD0];
	[tilespmem:s14+$0x2040 ss:$0x81] =	vst.msk $0xffff, v3;
	s17 =	sshll.u32 s11, $0x3  }
0xd: {  	v58 =	vld [tilespmem:s15+$0xFFFFFFE0];
	[tilespmem:s14+$0x2850 ss:$0x81] =	vst.msk $0xffff, v4;
	s25 =	sand.u32 $0x7F, s11;
	s17 =	sand.u32 $0xFFFFFC00, s17  }
0xe: {  	s16 =	sshra.s32 s16, $0x2;
	v59 =	vld [tilespmem:s15+$0xFFFFFFF0];
	[tilespmem:s14+$0x3060 ss:$0x81] =	vst.msk $0xffff, v2;
	s11 =	sor.u32 s25, s17  }
0xf: {  	v60 =	vld [tilespmem:s15+$0x0];
	[tilespmem:s14+$0x0 ss:$0x81] =	vst.msk $0xffff, v0;
	s13 =	sadd.s32 s16, s13;
	s26 =	smulhi.u32 $0xD1B71759, s11  }
0x10: {  	v61 =	vld [tilespmem:s15+$0x10];
	[tilespmem:s13+$0x3870 ss:$0x81] =	vst.msk $0xffff, v1  }
0x11: {  	v62 =	vld [tilespmem:s15+$0x20];
	s27 =	smulhi.u32 $0xD1B71759, s17;
	[tilespmem:s13+$0x810 ss:$0x81] =	vst.msk $0xffff, v5;
	s14 =	sshrl.u32 s26, $0x12  }
0x12: {  	v63 =	vld [tilespmem:s15+$0xFFFFFFC0];
	[tilespmem:s13+$0x1020 ss:$0x81] =	vst.msk $0xffff, v58;
	s14 =	smul.u32 $0x4E200, s14  }
0x13: {  	s28 =	sshrl.u32 s27, $0x12;
	[tilespmem:s13+$0x1830 ss:$0x81] =	vst.msk $0xffff, v59  }
0x14: {  	[tilespmem:s13+$0x2040 ss:$0x81] =	vst.msk $0xffff, v60;
	s29 =	sand.u32 $0x7F, s28;
	s11 =	ssub.s32 s11, s14  }
0x15: {  	[tilespmem:s13+$0x2850 ss:$0x81] =	vst.msk $0xffff, v61;
	s14 =	smul.u32 $0x9C40, s29;
	s30 =	sshrl.u32 s11, $0x3;
	s11 =	sand.u32 $0x7, s11  }
0x16: {  	[tilespmem:s13+$0x3060 ss:$0x81] =	vst.msk $0xffff, v62;
	s15 =	sadd.s32 s4, s30;
	s11 =	sshll.u32 s11, $0x12  }
0x17: {  	[tilespmem:s13+$0x0 ss:$0x81] =	vst.msk $0xffff, v63;
	s31 =	sadd.s32 s14, s15;
	s11 =	sor.u32 $0x400, s11  }
0x18: {  	[hbm4b:s31+s11] =	stream.strided.scatter [tilespmem:s12], [sflag:$0x2], $0x4000, s8, s11, $0x20;
	[tilespmem:$0x10100] =	vst v63  }
.LBB1_5:
0x19: {  	s13 =	sadd.s32 $0x1000, s9  }
0x1a: {  	p2 =	sgt.s32 s13, $0x4E1FF  }
0x1b: {  	s13 =	smov.u32 @p2 s2;
	p2 =	sne.s32 s10, s7  }
.Ltmp1:
0x1c: {  	p1 =	slt.u32 s10, $0x2;
	(pc) =	sbr.rel @!p2 .LBB1_6-.Ltmp1, $4  }
0x1d: {  	s12 =	simm.s32 @!p1 $0x2  }
0x1e: {  	s14 =	sadd.s32 $0x1, s10;
	_ =	swait.ge @!p1 [sflag:s12], $0x4000  }
0x1f: {  	s11 =	smov.u32 s9;
	p0 =	por !p0, !p0;
	[sflag:s12] =	ssyncset.done @!p1 $0x0  }
0x20: {  	s10 =	smov.u32 s14;
	s9 =	smov.u32 s13;
	[sflag:s12] =	ssyncadd.s32 @!p1 $0xFFFFC000  }
.LBB1_1:
0x21: {  	p1 =	sge.u32 s10, s6  }
0x22: {  	s12 =	sand.u32 @!p1 $0x1FFFFFF, s9  }
0x23: {  	s13 =	smulhi.u32 @!p1 $0x1A36E2F, s12;
	_ =	sdelay $0x1  }
0x24: {  	s13 =	sshrl.u32 @!p1 s13, $0xB  }
0x25: {  	s13 =	smul.u32 @!p1 $0x4E200, s13;
	_ =	sdelay $0x1  }
0x26: {  	s14 =	sxor.u32 @!p1 $0xFFFFFFFF, s10;
	s12 =	ssub.s32 @!p1 s12, s13  }
0x27: {  	s31 =	sadd.s32 $0xFFFFFFFF, s10;
	s13 =	sshll.u32 @!p1 s14, $0xE;
	s12 =	sshll.u32 @!p1 s12, $0x4  }
0x28: {  	s14 =	simm.s32 @!p1 $0x0;
	s13 =	sand.u32 @!p1 $0x4000, s13;
	s12 =	sadd.s32 @!p1 s3, s12  }
0x29: {  	[tilespmem:s13], [sflag:$0x1] =	stream.linear.gather @!p1 [hbm4b:s12+s14], $0x4000, $0x38;
	[tilespmem:$0x10100] =	vst v63  }
0x2a: {  	p1 =	sge.u32 s31, s6  }
.Ltmp2:
0x2b: {  	_ = 	snop;
	(pc) =	sbr.rel @p1 .LBB1_5-.Ltmp2, $1  }
0x2c: {  	_ =	sdelay $0x3  }
0x2d: {  	s12 =	simm.s32 $0x1  }
0x2e: {  	_ =	swait.ge [sflag:s5], $0x4000;
	s12 =	simm.s32 @!p0 $0x0  }
0x2f: {  	[sflag:s5] =	ssyncset.done $0x0;
	s13 =	sshll.u32 s12, $0xE  }
0x30: {  	[sflag:s5] =	ssyncadd.s32 $0xFFFFC000;
	s15 =	sor.u32 $0x40, s13  }
0x31: {  	s12 =	smul.u32 $0x10200, s12;
	v0 =	vld [tilespmem:s15+$0x30]  }
0x32: {  	v1 =	vld [tilespmem:s15+$0xFFFFFFD0]  }
0x33: {  	s12 =	sshrl.u32 s12, $0x2;
	v5 =	vld [tilespmem:s15+$0xFFFFFFE0]  }
0x34: {  	v6 =	vld [tilespmem:s15+$0xFFFFFFF0];
	s13 =	sor.u32 $0x8000, s12  }
0x35: {  	s31 =	sand.u32 $0x1, s10;
	v3 =	vld [tilespmem:s15+$0x0];
	s14 =	sadd.s32 $0x0, s13  }
0x36: {  	v4 =	vld [tilespmem:s15+$0x10];
	s12 =	smul.u32 $0x10200, s31;
	[tilespmem:s14+$0x3870 ss:$0x81] =	vst.msk $0xffff, v0  }
0x37: {  	v2 =	vld [tilespmem:s15+$0x20];
	[tilespmem:s14+$0x810 ss:$0x81] =	vst.msk $0xffff, v1  }
0x38: {  	s12 =	sshrl.u32 s12, $0x2;
	v0 =	vld [tilespmem:s15+$0xFFFFFFC0];
	[tilespmem:s14+$0x1020 ss:$0x81] =	vst.msk $0xffff, v5;
	s15 =	sadd.s32 $0x80, s15  }
0x39: {  	s16 =	simm.s32 $0x4;
	s17 =	simm.s32 $0x8;
	s12 =	sor.u32 $0x8000, s12;
	[tilespmem:s14+$0x1830 ss:$0x81] =	vst.msk $0xffff, v6;
	v1 =	vld [tilespmem:s15+$0x30]  }
.LBB1_3:
0x3a: {  	p1 =	sne.s32 s17, $0x1FC;
	v5 =	vld [tilespmem:s15+$0xFFFFFFD0];
	[tilespmem:s14+$0x2040 ss:$0x81] =	vst.msk $0xffff, v3  }
0x3b: {  	v6 =	vld [tilespmem:s15+$0xFFFFFFE0];
	[tilespmem:s14+$0x2850 ss:$0x81] =	vst.msk $0xffff, v4  }
0x3c: {  	s18 =	sshra.s32 s16, $0x2;
	s16 =	smov.u32 s17;
	v7 =	vld [tilespmem:s15+$0xFFFFFFF0];
	[tilespmem:s14+$0x3060 ss:$0x81] =	vst.msk $0xffff, v2  }
.Ltmp3:
0x3d: {  	v3 =	vld [tilespmem:s15+$0x0];
	[tilespmem:s14+$0x0 ss:$0x81] =	vst.msk $0xffff, v0;
	s14 =	sadd.s32 s18, s13;
	(pc) =	sbr.rel @p1 .LBB1_3-.Ltmp3, $4  }
0x3e: {  	v4 =	vld [tilespmem:s15+$0x10];
	[tilespmem:s14+$0x3870 ss:$0x81] =	vst.msk $0xffff, v1  }
0x3f: {  	[tilespmem:s14+$0x810 ss:$0x81] =	vst.msk $0xffff, v5;
	v2 =	vld [tilespmem:s15+$0x20]  }
0x40: {  	v0 =	vld [tilespmem:s15+$0xFFFFFFC0];
	[tilespmem:s14+$0x1020 ss:$0x81] =	vst.msk $0xffff, v6;
	s15 =	sadd.s32 $0x80, s15  }
0x41: {  	s17 =	sadd.s32 $0x4, s17;
	v1 =	vld [tilespmem:s15+$0x30];
	[tilespmem:s14+$0x1830 ss:$0x81] =	vst.msk $0xffff, v7  }
.Ltmp4:
0x42: {  	_ = 	snop;
	(pc) =	sbr.rel .LBB1_4-.Ltmp4, $1  }
0x43: {  	_ =	sdelay $0x3  }
.LBB1_6:
0x44: {  	_ =	sfence.sel $0x180000  }
0x45: {  	s2 =	simm.s32 $0x1;
	[bflag:$0x0] =	sbarrier.arrive $0xFFFF  }
0x46: {  	s31 =	simm.s32 $0x2;
	[sflag:s2] =	ssyncpa.u1 $0x1  }
0x47: {  	[sflag:s31] =	ssyncpa.u1 $0x1  }
0x48: {  	p0 =	sne.s32 s0, $0x0;
	_ =	strace $0x9000004A  }
0x49: {  	s0 =	sadd.s32 @!p0 $0x100000, s1;
	[bflag:$0x2] =	sbarrier.arrive $0xFFFF  }
0x4a: {  	[sflag:s0] =	ssyncadd.tile.s32 @!p0 $0x1;
	_ =	shalt  }
.Lfunc_end1:
_tile_overlayer_lowered:
.L_overlay_start_2:
0x4b: {  	(tag) =	ssettag $0x2  }
0x4c: {  	s0 =	rddreg [dreg:$0x0];
	s2 =	stileid.u32  }
0x4d: {  	s1 =	rddreg [dreg:$0x1];
	p0 =	sne.s32 s2, $0x0  }
0x4e: {  	s3 =	rddreg [dreg:$0x2];
	[bflag:$0x3] =	sbarrier.arrive $0xFFFF;
	s2 =	simm.s32 @!p0 $0x1C01  }
0x4f: {  	[timem:s3], [sflag:s2] =	dma.local @!p0 [hbm:s0], s1  }
0x50: {  	s0 =	simm.s32 @!p0 $0x1  }
0x51: {  	_ =	swait.ge @!p0 [sflag:s0], s1  }
0x52: {  	s1 =	ssub.s32 @!p0 $0x0, s1;
	[sflag:s0] =	ssyncset.done @!p0 $0x0  }
0x53: {  	[sflag:s0] =	ssyncadd.s32 @!p0 s1  }
0x54: {  	[bflag:$0x3] =	sbarrier.arrive $0xFFFF  }
0x55: {  	_ =	shalt  }

// kernel: sparse-core-data-format-call.cloned.1.call-start
scs
called_computation.1_lowered:
.L_overlay_start_0:
0x0: {  	s1 =	sld [smem:$0x3FD9]  }
0x1: {  	s2 =	sld [smem:$0x3FFE];
	_ =	sdelay $0x1  }
0x2: {  	s3 =	srdreg.scid  }
0x3: {  	s0 =	sand.u32 $0x1, s3  }
0x4: {  	s17 =	sshll.u32 s0, $0xA;
	s1 =	sadd.s32 s2, s1  }
0x5: {  	s1 =	sadd.s32 s1, s17  }
0x6: {  	[smem:$0x3FBA] =	sst s1  }
0x7: {  	_ = 	snop  }
0x8: {  	(tm) =	ssettm $0x1  }
0x9: {  	s18 =	sld [smem:$0x3FFB];
	_ =	sdelay $0x3  }
0xa: {  	_ =	strace s18  }
0xb: {  	s1 =	sld [smem:$0x3FFC];
	_ =	sdelay $0x3  }
0xc: {  	_ =	strace s1  }
0xd: {  	s1 =	sld [smem:$0x3FFD];
	_ =	sdelay $0x3  }
0xe: {  	_ =	strace s1  }
0xf: {  	_ =	strace $0x8FFFFFFF  }
0x10: {  	s19 =	sld [smem:$0x3FDB];
	_ =	sdelay $0x1  }
0x11: {  	s20 =	simm.s32 $_scs_section_size  }
0x12: {  	s4 =	simm.s32 $_size__tile_overlayer_lowered;
	s5 =	simm.s32 $_tile_overlayer_lowered  }
0x13: {  	s23 =	simm.s32 $0x1BFF;
	s22 =	sshll.u32 s5, $0x1;
	s1 =	sadd.s32 s20, s19  }
0x14: {  	s6 =	simm.s32 $0x0;
	s21 =	sshll.u32 s4, $0x1;
	s4 =	sadd.s32 s22, s1  }
0x15: {  	[timem:s6], [sflag:s23] =	dma.local [hbm:s4], s21  }
0x16: {  	_ =	swait.ge [sflag:s23], s21  }
0x17: {  	s2 =	ssub.s32 $0x0, s21;
	[sflag:s23] =	ssyncset.done $0x0  }
0x18: {  	[sflag:s23] =	ssyncadd.s32 s2;
	_ =	sdelay $0x1  }
0x19: {  	s24 =	simm.s32 $0x1B8B  }
0x1a: {  	_ =	swait.ge [sflag:s24], $0x1  }
0x1b: {  	[sflag:s24] =	ssyncset.done $0x0  }
0x1c: {  	s26 =	simm.s32 $0x1B8E;
	s25 =	sld [smem:$0x3FFE];
	[sflag:s24] =	ssyncadd.s32 $0xFFFFFFFF  }
0x1d: {  	s27 =	simm.s32 $execute0_lowered;
	[smem:$0x3FD2] =	sst s26  }
0x1e: {  	s4 =	sshll.u32 s27, $0x1;
	_ =	strace $0x8000004C;
	[dreg:$0x1] =	wrdreg $0xFFFFFFFF  }
0x1f: {  	s28 =	simm.s32 $_size_execute0_lowered;
	s1 =	sadd.s32 s1, s4;
	[dreg:$0x0] =	wrdreg $0x0  }
0x20: {  	s4 =	sshll.u32 s28, $0x1;
	[dreg:$0x2] =	wrdreg s1  }
0x21: {  	[dreg:$0x3] =	wrdreg s4  }
0x22: {  	[dreg:$0x4] =	wrdreg $0xC0  }
0x23: {  	_ =	task [dreg:s6], $0x5FFFF  }
0x24: {  	[dreg:$0x1] =	wrdreg $0xFFFFFFFF  }
0x25: {  	[dreg:$0x0] =	wrdreg $0x60  }
0x26: {  	[dreg:$0x2] =	wrdreg s25  }
0x27: {  	[dreg:$0x3] =	wrdreg $0xA  }
0x28: {  	_ =	task.clear_ibuf [dreg:s6], $0x4FFFF;
	_ =	strace $0x9000004C  }
0x29: {  	s29 =	simm.s32 $0xA;
	_ =	strace $0x8000004E  }
0x2a: {  	_ =	swait.ge [sflag:s29], $0x1  }
0x2b: {  	[sflag:s29] =	ssyncadd.s32 $0xFFFFFFFF  }
0x2c: {  	_ =	strace $0x9000004E  }
0x2d: {  	_ =	sfence  }
0x2e: {  	s30 =	sld [smem:$0x0];
	_ =	sdelay $0x2  }
0x2f: {  	s31 =	sshll.u32 s3, $0xD;
	s3 =	sshrl.u32 s3, $0x2  }
0x30: {  	s2 =	sand.u32 $0x4000, s31;
	s1 =	sadd.s32 s3, s30  }
0x31: {  	s0 =	sor.u32 s2, s0;
	s1 =	sshll.u32 s1, $0x11  }
0x32: {  	s0 =	sor.u32 s1, s0  }
0x33: {  	s0 =	sadd.s32 $0x8F2B, s0  }
0x34: {  	[sflag:s0] =	ssyncadd.remote.s32 $0x1  }
0x35: {  	_ =	sfence.sel $0xFFFF  }
0x36: {  	[dreg:$0x0] =	wrdreg $0xFFFFFFFF;
	(pc) =	sbr.abs _section_cstart, $3  }
0x37: {  	[dreg:$0x1] =	wrdreg $0xFFFFFFFF  }
0x38: {  	_ =	task.clear_ibuf [dreg:s6], $0x2FFFF;
	_ =	strace $0x9FFFFFFF  }
0x39: {  	(tm) =	ssettm $0x7FFFFFFF  }
tec
execute0_lowered:
.L_overlay_start_1:
0x0: {  	(tag) =	ssettag $0x1  }
0x1: {  	s0 =	srdreg.scid;
	s5 =	rddreg [dreg:$0x0];
	s4 =	simm.s32 $0x1  }
0x2: {  	s8 =	simm.s32 $0x2;
	s13 =	simm.s32 $0x0;
	s1 =	sshll.u32 s0, $0x4  }
0x3: {  	s14 =	simm.s32 $0x0;
	s0 =	stileid.u32;
	s1 =	sand.u32 $0x10, s1  }
0x4: {  	s15 =	simm.s32 $0x0;
	s10 =	simm.s32 $0x0;
	s2 =	sor.u32 s0, s1  }
0x5: {  	s11 =	simm.s32 $0x0;
	s3 =	sadd.s32 $0x9FFE00, s5;
	s2 =	sshll.u32 s2, $0x7  }
0x6: {  	s12 =	simm.s32 $0x0;
	s5 =	sadd.s32 $0xEE1E00, s5;
	s6 =	ssub.s32 $0x4E200, s2  }
.Ltmp0:
0x7: {  	s1 =	rddreg [dreg:$0x1];
	s7 =	sand.u32 $0xF80, s6;
	(pc) =	sbr.rel .LBB1_1-.Ltmp0, $4  }
0x8: {  	_ =	strace $0x8000004D;
	p0 =	sne.s32 s7, $0x0;
	s7 =	simm.s32 $0x1  }
0x9: {  	[sflag:s4] =	ssyncpa.u1 $0x0;
	s6 =	sshrl.u32 s6, $0xC;
	s7 =	simm.s32 @!p0 $0x0  }
0xa: {  	[sflag:s8] =	ssyncpa.u1 $0x0;
	s8 =	simm.s32 $0x80;
	s6 =	sadd.s32 s7, s6  }
0xb: {  	s9 =	smov.u32 s2;
	p0 =	por $0x0, $0x0;
	s7 =	sadd.s32 $0x1, s6  }
.LBB1_7:
0xc: {  	s16 =	sadd.s32 $0x1000, s9  }
0xd: {  	s13 =	sadd.s32 $0x10, s10;
	s17 =	smov.u32 s10;
	p2 =	sgt.s32 s16, $0x4E1FF  }
0xe: {  	s17 =	smov.u32 @p2 s13  }
0xf: {  	s19 =	smov.u32 s11;
	s13 =	sadd.s32 $0x8, s11;
	p3 =	sgt.s32 s17, $0xF  }
0x10: {  	s19 =	smov.u32 @p3 s13  }
0x11: {  	s16 =	smov.u32 @p2 s2;
	p2 =	sgt.s32 s19, $0x7  }
0x12: {  	p1 =	slt.u32 s12, $0x2;
	s19 =	simm.s32 @p2 $0x0;
	p2 =	sne.s32 s12, s7  }
.Ltmp1:
0x13: {  	s18 =	simm.s32 @!p1 $0x2;
	(pc) =	sbr.rel @!p2 .LBB1_8-.Ltmp1, $4  }
0x14: {  	s14 =	smov.u32 s10;
	s15 =	smov.u32 s11;
	_ =	swait.ge @!p1 [sflag:s18], $0x4000  }
0x15: {  	p0 =	por !p0, !p0;
	[sflag:s18] =	ssyncset.done @!p1 $0x0;
	s17 =	simm.s32 @p3 $0x0  }
0x16: {  	s13 =	smov.u32 s9;
	[sflag:s18] =	ssyncadd.s32 @!p1 $0xFFFFC000;
	s9 =	smov.u32 s16  }
0x17: {  	s10 =	smov.u32 s17;
	s12 =	sadd.s32 $0x1, s12;
	s11 =	smov.u32 s19  }
.LBB1_1:
0x18: {  	p1 =	sge.u32 s12, s6  }
0x19: {  	s16 =	sshrl.u32 @!p1 s10, $0x3  }
0x1a: {  	s17 =	sshll.u32 @!p1 s9, $0x3;
	s16 =	smul.u32 @!p1 $0x271000, s16  }
0x1b: {  	s18 =	sshll.u32 @!p1 s10, $0x7;
	s17 =	sand.u32 @!p1 $0xFFFFFC00, s17  }
0x1c: {  	s16 =	sadd.s32 @!p1 s16, s17;
	s17 =	sand.u32 @!p1 $0x380, s18  }
0x1d: {  	s18 =	sand.u32 @!p1 $0x7F, s9;
	s16 =	sor.u32 @!p1 s17, s16  }
0x1e: {  	s17 =	sor.u32 @!p1 s18, s16  }
0x1f: {  	s18 =	smulhi.u32 @!p1 $0xD1B71759, s17  }
0x20: {  	s16 =	smulhi.u32 @!p1 $0xD1B71759, s16  }
0x21: {  	s18 =	sshrl.u32 @!p1 s18, $0x12  }
0x22: {  	s31 =	sadd.s32 $0xFFFFFFFF, s12;
	s16 =	sshrl.u32 @!p1 s16, $0x12;
	s18 =	smul.u32 @!p1 $0x4E200, s18  }
0x23: {  	s19 =	sxor.u32 @!p1 $0xFFFFFFFF, s12;
	s20 =	smul.u32 @!p1 $0x9C400, s11;
	s16 =	sand.u32 @!p1 $0xF, s16  }
0x24: {  	s19 =	sshll.u32 @!p1 s19, $0xE;
	s16 =	smul.u32 @!p1 $0x9C40, s16;
	s17 =	ssub.s32 @!p1 s17, s18  }
0x25: {  	s18 =	sand.u32 @!p1 $0x4000, s19;
	s19 =	sadd.s32 @!p1 s3, s20;
	s20 =	sand.u32 @!p1 $0x7, s17  }
0x26: {  	s17 =	sshrl.u32 @!p1 s17, $0x3;
	s16 =	sadd.s32 @!p1 s16, s19;
	s19 =	sshll.u32 @!p1 s20, $0x12  }
0x27: {  	s16 =	sadd.s32 @!p1 s17, s16;
	s17 =	sor.u32 @!p1 $0x400, s19;
	s19 =	simm.s32 @!p1 $0x271000  }
0x28: {  	[tilespmem:s18], [sflag:$0x1] =	stream.strided.gather @!p1 [hbm4b:s16+s17], $0x4000, s19, s17, $0x38;
	[tilespmem:$0x10800] =	vst v63  }
0x29: {  	p1 =	sge.u32 s31, s6  }
.Ltmp2:
0x2a: {  	_ = 	snop;
	(pc) =	sbr.rel @p1 .LBB1_7-.Ltmp2, $1  }
0x2b: {  	_ =	sdelay $0x3  }
0x2c: {  	s16 =	simm.s32 $0x1;
	s18 =	sand.u32 $0x1, s12  }
0x2d: {  	_ =	swait.ge [sflag:s4], $0x4000;
	s16 =	simm.s32 @!p0 $0x0;
	s19 =	smul.u32 $0x11000, s18  }
0x2e: {  	[sflag:s4] =	ssyncset.done $0x0;
	s17 =	smul.u32 $0x11000, s16  }
0x2f: {  	s16 =	sshll.u32 s16, $0xE;
	[sflag:s4] =	ssyncadd.s32 $0xFFFFC000  }
0x30: {  	s18 =	sor.u32 $0x40, s16;
	s31 =	sshrl.u32 s19, $0x2;
	s17 =	sshrl.u32 s17, $0x2  }
0x31: {  	s19 =	simm.s32 $0x0;
	s16 =	sor.u32 $0x8000, s31;
	s17 =	sor.u32 $0x8000, s17  }
.LBB1_3:
0x32: {  	v0 =	vld [tilespmem:s18+$0x30]  }
0x33: {  	v1 =	vld [tilespmem:s18+$0xFFFFFFD0]  }
0x34: {  	v5 =	vld [tilespmem:s18+$0xFFFFFFE0]  }
0x35: {  	v6 =	vld [tilespmem:s18+$0xFFFFFFF0]  }
0x36: {  	s20 =	sadd.s32 $0x0, s17;
	v2 =	vld [tilespmem:s18+$0x0]  }
0x37: {  	v3 =	vld [tilespmem:s18+$0x10];
	[tilespmem:s20+$0x3B80 ss:$0x88] =	vst.msk $0xffff, v0  }
0x38: {  	v4 =	vld [tilespmem:s18+$0x20];
	[tilespmem:s20+$0x880 ss:$0x88] =	vst.msk $0xffff, v1  }
0x39: {  	s21 =	sadd.s32 $0x80, s18;
	v0 =	vld [tilespmem:s18+$0xFFFFFFC0];
	[tilespmem:s20+$0x1100 ss:$0x88] =	vst.msk $0xffff, v5  }
0x3a: {  	s22 =	simm.s32 $0x4;
	s23 =	simm.s32 $0x8;
	v1 =	vld [tilespmem:s21+$0x30];
	[tilespmem:s20+$0x1980 ss:$0x88] =	vst.msk $0xffff, v6  }
.LBB1_4:
0x3b: {  	p1 =	sne.s32 s23, $0x3C;
	v5 =	vld [tilespmem:s21+$0xFFFFFFD0];
	[tilespmem:s20+$0x2200 ss:$0x88] =	vst.msk $0xffff, v2  }
0x3c: {  	v6 =	vld [tilespmem:s21+$0xFFFFFFE0];
	[tilespmem:s20+$0x2A80 ss:$0x88] =	vst.msk $0xffff, v3  }
0x3d: {  	s24 =	sshra.s32 s22, $0x2;
	s22 =	smov.u32 s23;
	v7 =	vld [tilespmem:s21+$0xFFFFFFF0];
	[tilespmem:s20+$0x3300 ss:$0x88] =	vst.msk $0xffff, v4  }
.Ltmp3:
0x3e: {  	v2 =	vld [tilespmem:s21+$0x0];
	[tilespmem:s20+$0x0 ss:$0x88] =	vst.msk $0xffff, v0;
	s20 =	sadd.s32 s24, s17;
	(pc) =	sbr.rel @p1 .LBB1_4-.Ltmp3, $4  }
0x3f: {  	v3 =	vld [tilespmem:s21+$0x10];
	[tilespmem:s20+$0x3B80 ss:$0x88] =	vst.msk $0xffff, v1  }
0x40: {  	[tilespmem:s20+$0x880 ss:$0x88] =	vst.msk $0xffff, v5;
	v4 =	vld [tilespmem:s21+$0x20]  }
0x41: {  	v0 =	vld [tilespmem:s21+$0xFFFFFFC0];
	[tilespmem:s20+$0x1100 ss:$0x88] =	vst.msk $0xffff, v6;
	s21 =	sadd.s32 $0x80, s21  }
0x42: {  	s23 =	sadd.s32 $0x4, s23;
	v1 =	vld [tilespmem:s21+$0x30];
	[tilespmem:s20+$0x1980 ss:$0x88] =	vst.msk $0xffff, v7  }
0x43: {  	v5 =	vld [tilespmem:s21+$0xFFFFFFD0];
	[tilespmem:s20+$0x2200 ss:$0x88] =	vst.msk $0xffff, v2  }
0x44: {  	v58 =	vld [tilespmem:s21+$0xFFFFFFE0];
	[tilespmem:s20+$0x2A80 ss:$0x88] =	vst.msk $0xffff, v3  }
0x45: {  	s22 =	sshra.s32 s22, $0x2;
	v59 =	vld [tilespmem:s21+$0xFFFFFFF0];
	[tilespmem:s20+$0x3300 ss:$0x88] =	vst.msk $0xffff, v4  }
0x46: {  	v60 =	vld [tilespmem:s21+$0x0];
	s22 =	sadd.s32 s22, s17;
	[tilespmem:s20+$0x0 ss:$0x88] =	vst.msk $0xffff, v0  }
0x47: {  	v61 =	vld [tilespmem:s21+$0x10];
	[tilespmem:s22+$0x3B80 ss:$0x88] =	vst.msk $0xffff, v1  }
0x48: {  	v62 =	vld [tilespmem:s21+$0x20];
	s19 =	sadd.s32 $0x1, s19;
	[tilespmem:s22+$0x880 ss:$0x88] =	vst.msk $0xffff, v5  }
0x49: {  	v63 =	vld [tilespmem:s21+$0xFFFFFFC0];
	p1 =	sne.s32 s19, $0x8;
	[tilespmem:s22+$0x1100 ss:$0x88] =	vst.msk $0xffff, v58  }
.Ltmp4:
0x4a: {  	[tilespmem:s22+$0x1980 ss:$0x88] =	vst.msk $0xffff, v59;
	(pc) =	sbr.rel @p1 .LBB1_3-.Ltmp4, $4  }
0x4b: {  	[tilespmem:s22+$0x2200 ss:$0x88] =	vst.msk $0xffff, v60  }
0x4c: {  	[tilespmem:s22+$0x2A80 ss:$0x88] =	vst.msk $0xffff, v61  }
0x4d: {  	[tilespmem:s22+$0x3300 ss:$0x88] =	vst.msk $0xffff, v62  }
0x4e: {  	s18 =	sadd.s32 $0x800, s18;
	s17 =	sadd.s32 $0x11, s17;
	[tilespmem:s22+$0x0 ss:$0x88] =	vst.msk $0xffff, v63  }
0x4f: {  	s15 =	sshll.u32 s15, $0x4  }
.Ltmp5:
0x50: {  	s13 =	sshll.u32 s13, $0x7;
	s15 =	sand.u32 $0x70, s15;
	(pc) =	sbr.rel .LBB1_7-.Ltmp5, $4  }
0x51: {  	s17 =	sshrl.u32 s14, $0x3;
	s31 =	sand.u32 $0x7, s14;
	s15 =	sadd.s32 s5, s15  }
0x52: {  	s17 =	sand.u32 $0xF, s17;
	s14 =	sshll.u32 s31, $0x12;
	s13 =	sadd.s32 s13, s15  }
0x53: {  	s14 =	sor.u32 $0x10, s14;
	s13 =	sadd.s32 s17, s13  }
0x54: {  	[hbm4b:s13+s14] =	stream.strided.scatter [tilespmem:s16], [sflag:$0x2], $0x4000, s8, s14, $0x8;
	[tilespmem:$0x10800] =	vst v63  }
.LBB1_8:
0x55: {  	_ =	sfence.sel $0x180000  }
0x56: {  	s2 =	simm.s32 $0x1;
	[bflag:$0x0] =	sbarrier.arrive $0xFFFF  }
0x57: {  	s31 =	simm.s32 $0x2;
	[sflag:s2] =	ssyncpa.u1 $0x1  }
0x58: {  	[sflag:s31] =	ssyncpa.u1 $0x1  }
0x59: {  	p0 =	sne.s32 s0, $0x0;
	_ =	strace $0x9000004D  }
0x5a: {  	s0 =	sadd.s32 @!p0 $0x100000, s1;
	[bflag:$0x2] =	sbarrier.arrive $0xFFFF  }
0x5b: {  	[sflag:s0] =	ssyncadd.tile.s32 @!p0 $0x1;
	_ =	shalt  }
.Lfunc_end1:
_tile_overlayer_lowered:
.L_overlay_start_2:
0x5c: {  	(tag) =	ssettag $0x2  }
0x5d: {  	s0 =	rddreg [dreg:$0x0];
	s2 =	stileid.u32  }
0x5e: {  	s1 =	rddreg [dreg:$0x1];
	p0 =	sne.s32 s2, $0x0  }
0x5f: {  	s3 =	rddreg [dreg:$0x2];
	[bflag:$0x3] =	sbarrier.arrive $0xFFFF;
	s2 =	simm.s32 @!p0 $0x1C01  }
0x60: {  	[timem:s3], [sflag:s2] =	dma.local @!p0 [hbm:s0], s1  }
0x61: {  	s0 =	simm.s32 @!p0 $0x1  }
0x62: {  	_ =	swait.ge @!p0 [sflag:s0], s1  }
0x63: {  	s1 =	ssub.s32 @!p0 $0x0, s1;
	[sflag:s0] =	ssyncset.done @!p0 $0x0  }
0x64: {  	[sflag:s0] =	ssyncadd.s32 @!p0 s1  }
0x65: {  	[bflag:$0x3] =	sbarrier.arrive $0xFFFF  }
0x66: {  	_ =	shalt  }

</sc_bundles>
